<compile_context>
chip_gen: v7x
topology: tpu7x:2x2x1
jax: 0.10.2.dev20260603
libtpu: 0.0.44.dev20260713+nightly
codegen_flags: <defaults>
</compile_context>

<pallas_src>
import functools

import jax
import jax.numpy as jnp
from jax import lax
from jax.experimental import pallas as pl
from jax.experimental.pallas import tpu as pltpu
from jax.experimental.pallas import tpu_sc as plsc

VOCAB = 1000000
EMB_DIM = 128

B, T = 4096, 200
N = B * T

NC, NS = 2, 16
NW = NC * NS
PER_W = N // NW
CHUNK = 128
STEPS = PER_W // CHUNK
NBUF = 5
LAG = 3
GROUPS = STEPS // NBUF


def _body(table_hbm, x_hbm, out_hbm, idx_v, rows_v, gsem, ssem):
    c = lax.axis_index("c")
    s = lax.axis_index("s")
    wid = s * NC + c
    pltpu.sync_copy(x_hbm.at[wid], idx_v)
    base = wid * PER_W

    def start_gather(step, b):
        pltpu.make_async_copy(
            table_hbm.at[idx_v.at[step]], rows_v.at[b], gsem.at[b]
        ).start()

    def wait_gather(b):
        pltpu.make_async_copy(
            table_hbm.at[idx_v.at[0]], rows_v.at[b], gsem.at[b]
        ).wait()

    def start_store(step, b):
        pltpu.make_async_copy(
            rows_v.at[b], out_hbm.at[pl.ds(base + step * CHUNK, CHUNK)], ssem.at[b]
        ).start()

    def wait_store(b):
        pltpu.make_async_copy(
            rows_v.at[b], out_hbm.at[pl.ds(base, CHUNK)], ssem.at[b]
        ).wait()

    for i in range(NBUF):
        start_gather(i, i)
        if i >= LAG:
            j = i - LAG
            wait_gather(j % NBUF)
            start_store(j, j % NBUF)

    def group(g, carry):
        for k in range(NBUF):
            wait_store(k)
            start_gather(g * NBUF + k, k)
            b2 = (k + NBUF - LAG) % NBUF
            wait_gather(b2)
            start_store(g * NBUF + k - LAG, b2)
        return carry

    lax.fori_loop(1, GROUPS, group, 0)

    for j in range(STEPS - LAG, STEPS):
        wait_gather(j % NBUF)
        start_store(j, j % NBUF)
    for j in range(STEPS - NBUF, STEPS):
        wait_store(j % NBUF)


@jax.jit
def _lookup(emb_table, x_blocks):
    mesh = plsc.VectorSubcoreMesh(core_axis_name="c", subcore_axis_name="s")
    return pl.kernel(
        _body,
        out_type=jax.ShapeDtypeStruct((N, EMB_DIM), jnp.float32),
        mesh=mesh,
        scratch_types=[
            pltpu.VMEM((STEPS, CHUNK), jnp.int32),
            pltpu.VMEM((NBUF, CHUNK, EMB_DIM), jnp.float32),
            pltpu.SemaphoreType.DMA((NBUF,)),
            pltpu.SemaphoreType.DMA((NBUF,)),
        ],
    )(emb_table, x_blocks)


def kernel(x, emb_table):
    x_blocks = x.astype(jnp.int32).reshape(NW, STEPS, CHUNK)
    out = _lookup(emb_table, x_blocks)
    return out.reshape(B, T, EMB_DIM)

# --- scband reference (transcript-rebuilt; emitter-appended) ---
"""Pipeline reference for scband-linked-wiki-embedding-42588895707234 (READ-ONLY COPY).

The authoritative reference and input builder live on the scoring server;
editing this copy changes nothing except your own understanding.
"""

import jax, jax.numpy as jnp
import numpy as np

VOCAB = 1000000
EMB_DIM = 128

def setup_inputs(seed: int = 0) -> dict:
    key = jax.random.key(seed)
    k_idx, k_tab = jax.random.split(key)
    x = jax.random.randint(k_idx, (4096, 200), 0, VOCAB, dtype=jnp.int64 if jax.config.jax_enable_x64 else jnp.int32)
    # Pretrained embedding table (stand-in for linkedwiki loaded weights)
    emb_table = jax.random.normal(k_tab, (VOCAB, EMB_DIM), dtype=jnp.float32)
    return {"x": x, "emb_table": emb_table}

def reference(x, emb_table):
    # LinkedWikiEmbedding.forward: simple embedding lookup
    return jnp.take(emb_table, x, axis=0)

if __name__ == "__main__":
    import jax
    _d = setup_inputs()
    print(jax.jit(kernel)(*tuple(_d.values())))

</pallas_src>

<mosaic_0001>
#map = affine_map<(d0, d1) -> (0, 0)>
#map1 = affine_map<(d0, d1) -> (0, 0, 0)>
module attributes {stable_mosaic.version = 14 : i64} {
  func.func @_body(%arg0: i32, %arg1: i32, %arg2: memref<1000000x128xf32, #tpu.memory_space<hbm>>, %arg3: memref<32x200x128xi32, #tpu.memory_space<hbm>>, %arg4: memref<819200x128xf32, #tpu.memory_space<hbm>>, %arg5: memref<200x128xi32, #tpu.memory_space<vmem>>, %arg6: memref<5x128x128xf32, #tpu.memory_space<vmem>>, %arg7: memref<5x!tpu.dma_semaphore, #tpu.memory_space<semaphore_mem>>, %arg8: memref<5x!tpu.dma_semaphore, #tpu.memory_space<semaphore_mem>>) attributes {dimension_semantics = [#tpu.dimension_semantics<core_parallel>, #tpu.dimension_semantics<subcore_parallel>], iteration_bounds = array<i64: 2, 16>, scalar_prefetch = 0 : i64, scratch_operands = 4 : i64, tpu.core_type = #tpu.core_type<sc_vector_subcore>, window_params = [{transform_indices = #map}, {transform_indices = #map1}, {transform_indices = #map}]} {
    %mul3A = arith.constant 2 : i32
    %mul3A_0 = arith.muli %arg1, %mul3A : i32
    %add3A = arith.addi %mul3A_0, %arg0 : i32
    "tpu.region"() ({
      %run_scoped3A = tpu.sem_alloc : memref<!tpu.dma_semaphore, #tpu.memory_space<semaphore_mem>>
      %dma_start3A_326 = arith.constant 0 : i32
      %dma_start3A_327 = arith.constant 0 : i32
      %dma_start3A_328 = tpu.memref_slice %arg3[%add3A, %dma_start3A_326, %dma_start3A_327] : memref<32x200x128xi32, #tpu.memory_space<hbm>> -> memref<1x200x128xi32, #tpu.memory_space<hbm>>
      %dma_start3A_329 = tpu.memref_squeeze %dma_start3A_328 : memref<1x200x128xi32, #tpu.memory_space<hbm>> -> memref<200x128xi32, #tpu.memory_space<hbm>>
      %dma_start3A_330 = arith.constant 0 : i32
      %dma_start3A_331 = arith.constant 0 : i32
      %dma_start3A_332 = tpu.memref_slice %arg3[%add3A, %dma_start3A_330, %dma_start3A_331] : memref<32x200x128xi32, #tpu.memory_space<hbm>> -> memref<1x200x128xi32, #tpu.memory_space<hbm>>
      %dma_start3A_333 = tpu.memref_squeeze %dma_start3A_332 : memref<1x200x128xi32, #tpu.memory_space<hbm>> -> memref<200x128xi32, #tpu.memory_space<hbm>>
      tpu.enqueue_dma source(%dma_start3A_333 : memref<200x128xi32, #tpu.memory_space<hbm>>) target(%arg5 : memref<200x128xi32, #tpu.memory_space<vmem>>) target_semaphore(%run_scoped3A : memref<!tpu.dma_semaphore, #tpu.memory_space<semaphore_mem>>)
      %dma_wait3A_334 = arith.constant 0 : i32
      %dma_wait3A_335 = arith.constant 0 : i32
      %dma_wait3A_336 = tpu.memref_slice %arg3[%add3A, %dma_wait3A_334, %dma_wait3A_335] : memref<32x200x128xi32, #tpu.memory_space<hbm>> -> memref<1x200x128xi32, #tpu.memory_space<hbm>>
      %dma_wait3A_337 = tpu.memref_squeeze %dma_wait3A_336 : memref<1x200x128xi32, #tpu.memory_space<hbm>> -> memref<200x128xi32, #tpu.memory_space<hbm>>
      %dma_wait3A_338 = arith.constant 0 : i32
      %dma_wait3A_339 = arith.constant 0 : i32
      %dma_wait3A_340 = tpu.memref_slice %arg3[%add3A, %dma_wait3A_338, %dma_wait3A_339] : memref<32x200x128xi32, #tpu.memory_space<hbm>> -> memref<1x200x128xi32, #tpu.memory_space<hbm>>
      %dma_wait3A_341 = tpu.memref_squeeze %dma_wait3A_340 : memref<1x200x128xi32, #tpu.memory_space<hbm>> -> memref<200x128xi32, #tpu.memory_space<hbm>>
      tpu.wait_dma2 semaphore(%run_scoped3A : memref<!tpu.dma_semaphore, #tpu.memory_space<semaphore_mem>>) src(%dma_wait3A_341 : memref<200x128xi32, #tpu.memory_space<hbm>>) dst(%arg5 : memref<200x128xi32, #tpu.memory_space<vmem>>)
      tpu.yield
    }) : () -> ()
    %mul3A_1 = arith.constant 25600 : i32
    %mul3A_2 = arith.muli %add3A, %mul3A_1 : i32
    %dma_start3A = arith.constant 0 : i32
    %dma_start3A_3 = arith.constant 0 : i32
    %dma_start3A_4 = arith.constant 0 : i32
    %dma_start3A_5 = arith.constant 0 : i32
    %dma_start3A_6 = arith.constant 0 : i32
    %dma_start3A_7 = tpu.memref_slice %arg6[%dma_start3A_3, %dma_start3A_5, %dma_start3A_6] : memref<5x128x128xf32, #tpu.memory_space<vmem>> -> memref<1x128x128xf32, #tpu.memory_space<vmem>>
    %dma_start3A_8 = tpu.memref_squeeze %dma_start3A_7 : memref<1x128x128xf32, #tpu.memory_space<vmem>> -> memref<128x128xf32, #tpu.memory_space<vmem>>
    %dma_start3A_9 = arith.constant 0 : i32
    %dma_start3A_10 = tpu.memref_slice %arg5[%dma_start3A, %dma_start3A_9] : memref<200x128xi32, #tpu.memory_space<vmem>> -> memref<1x128xi32, #tpu.memory_space<vmem>>
    %dma_start3A_11 = tpu.memref_squeeze %dma_start3A_10 : memref<1x128xi32, #tpu.memory_space<vmem>> -> memref<128xi32, #tpu.memory_space<vmem>>
    %dma_start3A_12 = arith.constant 0 : i32
    %dma_start3A_13 = arith.constant 0 : i32
    %dma_start3A_14 = tpu.memref_slice %arg2[%dma_start3A_12, %dma_start3A_13] : memref<1000000x128xf32, #tpu.memory_space<hbm>> -> memref<1000000x128xf32, #tpu.memory_space<hbm>>
    %dma_start3A_15 = tpu.memref_slice %arg7[%dma_start3A_4] : memref<5x!tpu.dma_semaphore, #tpu.memory_space<semaphore_mem>> -> memref<1x!tpu.dma_semaphore, #tpu.memory_space<semaphore_mem>>
    %dma_start3A_16 = tpu.memref_squeeze %dma_start3A_15 : memref<1x!tpu.dma_semaphore, #tpu.memory_space<semaphore_mem>> -> memref<!tpu.dma_semaphore, #tpu.memory_space<semaphore_mem>>
    tpu.enqueue_indirect_dma source(%dma_start3A_14 : memref<1000000x128xf32, #tpu.memory_space<hbm>>) target(%dma_start3A_8 : memref<128x128xf32, #tpu.memory_space<vmem>>) offsets(%dma_start3A_11 : memref<128xi32, #tpu.memory_space<vmem>>) semaphore(%dma_start3A_16 : memref<!tpu.dma_semaphore, #tpu.memory_space<semaphore_mem>>)
    %dma_start3A_17 = arith.constant 1 : i32
    %dma_start3A_18 = arith.constant 1 : i32
    %dma_start3A_19 = arith.constant 1 : i32
    %dma_start3A_20 = arith.constant 0 : i32
    %dma_start3A_21 = arith.constant 0 : i32
    %dma_start3A_22 = tpu.memref_slice %arg6[%dma_start3A_18, %dma_start3A_20, %dma_start3A_21] : memref<5x128x128xf32, #tpu.memory_space<vmem>> -> memref<1x128x128xf32, #tpu.memory_space<vmem>>
    %dma_start3A_23 = tpu.memref_squeeze %dma_start3A_22 : memref<1x128x128xf32, #tpu.memory_space<vmem>> -> memref<128x128xf32, #tpu.memory_space<vmem>>
    %dma_start3A_24 = arith.constant 0 : i32
    %dma_start3A_25 = tpu.memref_slice %arg5[%dma_start3A_17, %dma_start3A_24] : memref<200x128xi32, #tpu.memory_space<vmem>> -> memref<1x128xi32, #tpu.memory_space<vmem>>
    %dma_start3A_26 = tpu.memref_squeeze %dma_start3A_25 : memref<1x128xi32, #tpu.memory_space<vmem>> -> memref<128xi32, #tpu.memory_space<vmem>>
    %dma_start3A_27 = arith.constant 0 : i32
    %dma_start3A_28 = arith.constant 0 : i32
    %dma_start3A_29 = tpu.memref_slice %arg2[%dma_start3A_27, %dma_start3A_28] : memref<1000000x128xf32, #tpu.memory_space<hbm>> -> memref<1000000x128xf32, #tpu.memory_space<hbm>>
    %dma_start3A_30 = tpu.memref_slice %arg7[%dma_start3A_19] : memref<5x!tpu.dma_semaphore, #tpu.memory_space<semaphore_mem>> -> memref<1x!tpu.dma_semaphore, #tpu.memory_space<semaphore_mem>>
    %dma_start3A_31 = tpu.memref_squeeze %dma_start3A_30 : memref<1x!tpu.dma_semaphore, #tpu.memory_space<semaphore_mem>> -> memref<!tpu.dma_semaphore, #tpu.memory_space<semaphore_mem>>
    tpu.enqueue_indirect_dma source(%dma_start3A_29 : memref<1000000x128xf32, #tpu.memory_space<hbm>>) target(%dma_start3A_23 : memref<128x128xf32, #tpu.memory_space<vmem>>) offsets(%dma_start3A_26 : memref<128xi32, #tpu.memory_space<vmem>>) semaphore(%dma_start3A_31 : memref<!tpu.dma_semaphore, #tpu.memory_space<semaphore_mem>>)
    %dma_start3A_32 = arith.constant 2 : i32
    %dma_start3A_33 = arith.constant 2 : i32
    %dma_start3A_34 = arith.constant 2 : i32
    %dma_start3A_35 = arith.constant 0 : i32
    %dma_start3A_36 = arith.constant 0 : i32
    %dma_start3A_37 = tpu.memref_slice %arg6[%dma_start3A_33, %dma_start3A_35, %dma_start3A_36] : memref<5x128x128xf32, #tpu.memory_space<vmem>> -> memref<1x128x128xf32, #tpu.memory_space<vmem>>
    %dma_start3A_38 = tpu.memref_squeeze %dma_start3A_37 : memref<1x128x128xf32, #tpu.memory_space<vmem>> -> memref<128x128xf32, #tpu.memory_space<vmem>>
    %dma_start3A_39 = arith.constant 0 : i32
    %dma_start3A_40 = tpu.memref_slice %arg5[%dma_start3A_32, %dma_start3A_39] : memref<200x128xi32, #tpu.memory_space<vmem>> -> memref<1x128xi32, #tpu.memory_space<vmem>>
    %dma_start3A_41 = tpu.memref_squeeze %dma_start3A_40 : memref<1x128xi32, #tpu.memory_space<vmem>> -> memref<128xi32, #tpu.memory_space<vmem>>
    %dma_start3A_42 = arith.constant 0 : i32
    %dma_start3A_43 = arith.constant 0 : i32
    %dma_start3A_44 = tpu.memref_slice %arg2[%dma_start3A_42, %dma_start3A_43] : memref<1000000x128xf32, #tpu.memory_space<hbm>> -> memref<1000000x128xf32, #tpu.memory_space<hbm>>
    %dma_start3A_45 = tpu.memref_slice %arg7[%dma_start3A_34] : memref<5x!tpu.dma_semaphore, #tpu.memory_space<semaphore_mem>> -> memref<1x!tpu.dma_semaphore, #tpu.memory_space<semaphore_mem>>
    %dma_start3A_46 = tpu.memref_squeeze %dma_start3A_45 : memref<1x!tpu.dma_semaphore, #tpu.memory_space<semaphore_mem>> -> memref<!tpu.dma_semaphore, #tpu.memory_space<semaphore_mem>>
    tpu.enqueue_indirect_dma source(%dma_start3A_44 : memref<1000000x128xf32, #tpu.memory_space<hbm>>) target(%dma_start3A_38 : memref<128x128xf32, #tpu.memory_space<vmem>>) offsets(%dma_start3A_41 : memref<128xi32, #tpu.memory_space<vmem>>) semaphore(%dma_start3A_46 : memref<!tpu.dma_semaphore, #tpu.memory_space<semaphore_mem>>)
    %dma_start3A_47 = arith.constant 3 : i32
    %dma_start3A_48 = arith.constant 3 : i32
    %dma_start3A_49 = arith.constant 3 : i32
    %dma_start3A_50 = arith.constant 0 : i32
    %dma_start3A_51 = arith.constant 0 : i32
    %dma_start3A_52 = tpu.memref_slice %arg6[%dma_start3A_48, %dma_start3A_50, %dma_start3A_51] : memref<5x128x128xf32, #tpu.memory_space<vmem>> -> memref<1x128x128xf32, #tpu.memory_space<vmem>>
    %dma_start3A_53 = tpu.memref_squeeze %dma_start3A_52 : memref<1x128x128xf32, #tpu.memory_space<vmem>> -> memref<128x128xf32, #tpu.memory_space<vmem>>
    %dma_start3A_54 = arith.constant 0 : i32
    %dma_start3A_55 = tpu.memref_slice %arg5[%dma_start3A_47, %dma_start3A_54] : memref<200x128xi32, #tpu.memory_space<vmem>> -> memref<1x128xi32, #tpu.memory_space<vmem>>
    %dma_start3A_56 = tpu.memref_squeeze %dma_start3A_55 : memref<1x128xi32, #tpu.memory_space<vmem>> -> memref<128xi32, #tpu.memory_space<vmem>>
    %dma_start3A_57 = arith.constant 0 : i32
    %dma_start3A_58 = arith.constant 0 : i32
    %dma_start3A_59 = tpu.memref_slice %arg2[%dma_start3A_57, %dma_start3A_58] : memref<1000000x128xf32, #tpu.memory_space<hbm>> -> memref<1000000x128xf32, #tpu.memory_space<hbm>>
    %dma_start3A_60 = tpu.memref_slice %arg7[%dma_start3A_49] : memref<5x!tpu.dma_semaphore, #tpu.memory_space<semaphore_mem>> -> memref<1x!tpu.dma_semaphore, #tpu.memory_space<semaphore_mem>>
    %dma_start3A_61 = tpu.memref_squeeze %dma_start3A_60 : memref<1x!tpu.dma_semaphore, #tpu.memory_space<semaphore_mem>> -> memref<!tpu.dma_semaphore, #tpu.memory_space<semaphore_mem>>
    tpu.enqueue_indirect_dma source(%dma_start3A_59 : memref<1000000x128xf32, #tpu.memory_space<hbm>>) target(%dma_start3A_53 : memref<128x128xf32, #tpu.memory_space<vmem>>) offsets(%dma_start3A_56 : memref<128xi32, #tpu.memory_space<vmem>>) semaphore(%dma_start3A_61 : memref<!tpu.dma_semaphore, #tpu.memory_space<semaphore_mem>>)
    %dma_wait3A = arith.constant 0 : i32
    %dma_wait3A_62 = arith.constant 0 : i32
    %dma_wait3A_63 = arith.constant 0 : i32
    %dma_wait3A_64 = arith.constant 0 : i32
    %dma_wait3A_65 = arith.constant 0 : i32
    %dma_wait3A_66 = tpu.memref_slice %arg6[%dma_wait3A_62, %dma_wait3A_64, %dma_wait3A_65] : memref<5x128x128xf32, #tpu.memory_space<vmem>> -> memref<1x128x128xf32, #tpu.memory_space<vmem>>
    %dma_wait3A_67 = tpu.memref_squeeze %dma_wait3A_66 : memref<1x128x128xf32, #tpu.memory_space<vmem>> -> memref<128x128xf32, #tpu.memory_space<vmem>>
    %dma_wait3A_68 = arith.constant 0 : i32
    %dma_wait3A_69 = tpu.memref_slice %arg5[%dma_wait3A, %dma_wait3A_68] : memref<200x128xi32, #tpu.memory_space<vmem>> -> memref<1x128xi32, #tpu.memory_space<vmem>>
    %dma_wait3A_70 = tpu.memref_squeeze %dma_wait3A_69 : memref<1x128xi32, #tpu.memory_space<vmem>> -> memref<128xi32, #tpu.memory_space<vmem>>
    %dma_wait3A_71 = arith.constant 0 : i32
    %dma_wait3A_72 = arith.constant 0 : i32
    %dma_wait3A_73 = tpu.memref_slice %arg2[%dma_wait3A_71, %dma_wait3A_72] : memref<1000000x128xf32, #tpu.memory_space<hbm>> -> memref<1000000x128xf32, #tpu.memory_space<hbm>>
    %dma_wait3A_74 = tpu.memref_slice %arg7[%dma_wait3A_63] : memref<5x!tpu.dma_semaphore, #tpu.memory_space<semaphore_mem>> -> memref<1x!tpu.dma_semaphore, #tpu.memory_space<semaphore_mem>>
    %dma_wait3A_75 = tpu.memref_squeeze %dma_wait3A_74 : memref<1x!tpu.dma_semaphore, #tpu.memory_space<semaphore_mem>> -> memref<!tpu.dma_semaphore, #tpu.memory_space<semaphore_mem>>
    tpu.wait_indirect_dma semaphore(%dma_wait3A_75 : memref<!tpu.dma_semaphore, #tpu.memory_space<semaphore_mem>>) src(%dma_wait3A_73 : memref<1000000x128xf32, #tpu.memory_space<hbm>>) dst(%dma_wait3A_67 : memref<128x128xf32, #tpu.memory_space<vmem>>)
    %add3A_76 = arith.constant 0 : i32
    %add3A_77 = arith.addi %mul3A_2, %add3A_76 : i32
    %dma_start3A_78 = arith.constant 0 : i32
    %dma_start3A_79 = arith.constant 0 : i32
    %dma_start3A_80 = arith.constant 0 : i32
    %dma_start3A_81 = arith.constant 0 : i32
    %dma_start3A_82 = tpu.memref_slice %arg6[%dma_start3A_78, %dma_start3A_80, %dma_start3A_81] : memref<5x128x128xf32, #tpu.memory_space<vmem>> -> memref<1x128x128xf32, #tpu.memory_space<vmem>>
    %dma_start3A_83 = tpu.memref_squeeze %dma_start3A_82 : memref<1x128x128xf32, #tpu.memory_space<vmem>> -> memref<128x128xf32, #tpu.memory_space<vmem>>
    %dma_start3A_84 = arith.constant 0 : i32
    %dma_start3A_85 = tpu.memref_slice %arg4[%add3A_77, %dma_start3A_84] : memref<819200x128xf32, #tpu.memory_space<hbm>> -> memref<128x128xf32, #tpu.memory_space<hbm>>
    %dma_start3A_86 = tpu.memref_slice %arg8[%dma_start3A_79] : memref<5x!tpu.dma_semaphore, #tpu.memory_space<semaphore_mem>> -> memref<1x!tpu.dma_semaphore, #tpu.memory_space<semaphore_mem>>
    %dma_start3A_87 = tpu.memref_squeeze %dma_start3A_86 : memref<1x!tpu.dma_semaphore, #tpu.memory_space<semaphore_mem>> -> memref<!tpu.dma_semaphore, #tpu.memory_space<semaphore_mem>>
    %dma_start3A_88 = arith.constant 0 : i32
    %dma_start3A_89 = tpu.memref_slice %arg4[%add3A_77, %dma_start3A_88] : memref<819200x128xf32, #tpu.memory_space<hbm>> -> memref<128x128xf32, #tpu.memory_space<hbm>>
    %dma_start3A_90 = arith.constant 0 : i32
    %dma_start3A_91 = arith.constant 0 : i32
    %dma_start3A_92 = tpu.memref_slice %arg6[%dma_start3A_78, %dma_start3A_90, %dma_start3A_91] : memref<5x128x128xf32, #tpu.memory_space<vmem>> -> memref<1x128x128xf32, #tpu.memory_space<vmem>>
    %dma_start3A_93 = tpu.memref_squeeze %dma_start3A_92 : memref<1x128x128xf32, #tpu.memory_space<vmem>> -> memref<128x128xf32, #tpu.memory_space<vmem>>
    tpu.enqueue_dma source(%dma_start3A_93 : memref<128x128xf32, #tpu.memory_space<vmem>>) target(%dma_start3A_89 : memref<128x128xf32, #tpu.memory_space<hbm>>) target_semaphore(%dma_start3A_87 : memref<!tpu.dma_semaphore, #tpu.memory_space<semaphore_mem>>)
    %dma_start3A_94 = arith.constant 4 : i32
    %dma_start3A_95 = arith.constant 4 : i32
    %dma_start3A_96 = arith.constant 4 : i32
    %dma_start3A_97 = arith.constant 0 : i32
    %dma_start3A_98 = arith.constant 0 : i32
    %dma_start3A_99 = tpu.memref_slice %arg6[%dma_start3A_95, %dma_start3A_97, %dma_start3A_98] : memref<5x128x128xf32, #tpu.memory_space<vmem>> -> memref<1x128x128xf32, #tpu.memory_space<vmem>>
    %dma_start3A_100 = tpu.memref_squeeze %dma_start3A_99 : memref<1x128x128xf32, #tpu.memory_space<vmem>> -> memref<128x128xf32, #tpu.memory_space<vmem>>
    %dma_start3A_101 = arith.constant 0 : i32
    %dma_start3A_102 = tpu.memref_slice %arg5[%dma_start3A_94, %dma_start3A_101] : memref<200x128xi32, #tpu.memory_space<vmem>> -> memref<1x128xi32, #tpu.memory_space<vmem>>
    %dma_start3A_103 = tpu.memref_squeeze %dma_start3A_102 : memref<1x128xi32, #tpu.memory_space<vmem>> -> memref<128xi32, #tpu.memory_space<vmem>>
    %dma_start3A_104 = arith.constant 0 : i32
    %dma_start3A_105 = arith.constant 0 : i32
    %dma_start3A_106 = tpu.memref_slice %arg2[%dma_start3A_104, %dma_start3A_105] : memref<1000000x128xf32, #tpu.memory_space<hbm>> -> memref<1000000x128xf32, #tpu.memory_space<hbm>>
    %dma_start3A_107 = tpu.memref_slice %arg7[%dma_start3A_96] : memref<5x!tpu.dma_semaphore, #tpu.memory_space<semaphore_mem>> -> memref<1x!tpu.dma_semaphore, #tpu.memory_space<semaphore_mem>>
    %dma_start3A_108 = tpu.memref_squeeze %dma_start3A_107 : memref<1x!tpu.dma_semaphore, #tpu.memory_space<semaphore_mem>> -> memref<!tpu.dma_semaphore, #tpu.memory_space<semaphore_mem>>
    tpu.enqueue_indirect_dma source(%dma_start3A_106 : memref<1000000x128xf32, #tpu.memory_space<hbm>>) target(%dma_start3A_100 : memref<128x128xf32, #tpu.memory_space<vmem>>) offsets(%dma_start3A_103 : memref<128xi32, #tpu.memory_space<vmem>>) semaphore(%dma_start3A_108 : memref<!tpu.dma_semaphore, #tpu.memory_space<semaphore_mem>>)
    %dma_wait3A_109 = arith.constant 0 : i32
    %dma_wait3A_110 = arith.constant 1 : i32
    %dma_wait3A_111 = arith.constant 1 : i32
    %dma_wait3A_112 = arith.constant 0 : i32
    %dma_wait3A_113 = arith.constant 0 : i32
    %dma_wait3A_114 = tpu.memref_slice %arg6[%dma_wait3A_110, %dma_wait3A_112, %dma_wait3A_113] : memref<5x128x128xf32, #tpu.memory_space<vmem>> -> memref<1x128x128xf32, #tpu.memory_space<vmem>>
    %dma_wait3A_115 = tpu.memref_squeeze %dma_wait3A_114 : memref<1x128x128xf32, #tpu.memory_space<vmem>> -> memref<128x128xf32, #tpu.memory_space<vmem>>
    %dma_wait3A_116 = arith.constant 0 : i32
    %dma_wait3A_117 = tpu.memref_slice %arg5[%dma_wait3A_109, %dma_wait3A_116] : memref<200x128xi32, #tpu.memory_space<vmem>> -> memref<1x128xi32, #tpu.memory_space<vmem>>
    %dma_wait3A_118 = tpu.memref_squeeze %dma_wait3A_117 : memref<1x128xi32, #tpu.memory_space<vmem>> -> memref<128xi32, #tpu.memory_space<vmem>>
    %dma_wait3A_119 = arith.constant 0 : i32
    %dma_wait3A_120 = arith.constant 0 : i32
    %dma_wait3A_121 = tpu.memref_slice %arg2[%dma_wait3A_119, %dma_wait3A_120] : memref<1000000x128xf32, #tpu.memory_space<hbm>> -> memref<1000000x128xf32, #tpu.memory_space<hbm>>
    %dma_wait3A_122 = tpu.memref_slice %arg7[%dma_wait3A_111] : memref<5x!tpu.dma_semaphore, #tpu.memory_space<semaphore_mem>> -> memref<1x!tpu.dma_semaphore, #tpu.memory_space<semaphore_mem>>
    %dma_wait3A_123 = tpu.memref_squeeze %dma_wait3A_122 : memref<1x!tpu.dma_semaphore, #tpu.memory_space<semaphore_mem>> -> memref<!tpu.dma_semaphore, #tpu.memory_space<semaphore_mem>>
    tpu.wait_indirect_dma semaphore(%dma_wait3A_123 : memref<!tpu.dma_semaphore, #tpu.memory_space<semaphore_mem>>) src(%dma_wait3A_121 : memref<1000000x128xf32, #tpu.memory_space<hbm>>) dst(%dma_wait3A_115 : memref<128x128xf32, #tpu.memory_space<vmem>>)
    %add3A_124 = arith.constant 128 : i32
    %add3A_125 = arith.addi %mul3A_2, %add3A_124 : i32
    %dma_start3A_126 = arith.constant 1 : i32
    %dma_start3A_127 = arith.constant 1 : i32
    %dma_start3A_128 = arith.constant 0 : i32
    %dma_start3A_129 = arith.constant 0 : i32
    %dma_start3A_130 = tpu.memref_slice %arg6[%dma_start3A_126, %dma_start3A_128, %dma_start3A_129] : memref<5x128x128xf32, #tpu.memory_space<vmem>> -> memref<1x128x128xf32, #tpu.memory_space<vmem>>
    %dma_start3A_131 = tpu.memref_squeeze %dma_start3A_130 : memref<1x128x128xf32, #tpu.memory_space<vmem>> -> memref<128x128xf32, #tpu.memory_space<vmem>>
    %dma_start3A_132 = arith.constant 0 : i32
    %dma_start3A_133 = tpu.memref_slice %arg4[%add3A_125, %dma_start3A_132] : memref<819200x128xf32, #tpu.memory_space<hbm>> -> memref<128x128xf32, #tpu.memory_space<hbm>>
    %dma_start3A_134 = tpu.memref_slice %arg8[%dma_start3A_127] : memref<5x!tpu.dma_semaphore, #tpu.memory_space<semaphore_mem>> -> memref<1x!tpu.dma_semaphore, #tpu.memory_space<semaphore_mem>>
    %dma_start3A_135 = tpu.memref_squeeze %dma_start3A_134 : memref<1x!tpu.dma_semaphore, #tpu.memory_space<semaphore_mem>> -> memref<!tpu.dma_semaphore, #tpu.memory_space<semaphore_mem>>
    %dma_start3A_136 = arith.constant 0 : i32
    %dma_start3A_137 = tpu.memref_slice %arg4[%add3A_125, %dma_start3A_136] : memref<819200x128xf32, #tpu.memory_space<hbm>> -> memref<128x128xf32, #tpu.memory_space<hbm>>
    %dma_start3A_138 = arith.constant 0 : i32
    %dma_start3A_139 = arith.constant 0 : i32
    %dma_start3A_140 = tpu.memref_slice %arg6[%dma_start3A_126, %dma_start3A_138, %dma_start3A_139] : memref<5x128x128xf32, #tpu.memory_space<vmem>> -> memref<1x128x128xf32, #tpu.memory_space<vmem>>
    %dma_start3A_141 = tpu.memref_squeeze %dma_start3A_140 : memref<1x128x128xf32, #tpu.memory_space<vmem>> -> memref<128x128xf32, #tpu.memory_space<vmem>>
    tpu.enqueue_dma source(%dma_start3A_141 : memref<128x128xf32, #tpu.memory_space<vmem>>) target(%dma_start3A_137 : memref<128x128xf32, #tpu.memory_space<hbm>>) target_semaphore(%dma_start3A_135 : memref<!tpu.dma_semaphore, #tpu.memory_space<semaphore_mem>>)
    %scan3A = arith.constant 0 : i32
    %scan3A_142 = arith.constant 1 : i32
    %scan3A_143 = arith.constant 39 : i32
    %scan3A_144 = arith.addi %scan3A_142, %scan3A_143 : i32
    %scan3A_145 = arith.constant 1 : i32
    scf.for %scan3A_326 = %scan3A_142 to %scan3A_144 step %scan3A_145  : i32 {
      %dma_wait3A_327 = arith.constant 0 : i32
      %dma_wait3A_328 = arith.constant 0 : i32
      %dma_wait3A_329 = arith.constant 0 : i32
      %dma_wait3A_330 = arith.constant 0 : i32
      %dma_wait3A_331 = tpu.memref_slice %arg6[%dma_wait3A_327, %dma_wait3A_329, %dma_wait3A_330] : memref<5x128x128xf32, #tpu.memory_space<vmem>> -> memref<1x128x128xf32, #tpu.memory_space<vmem>>
      %dma_wait3A_332 = tpu.memref_squeeze %dma_wait3A_331 : memref<1x128x128xf32, #tpu.memory_space<vmem>> -> memref<128x128xf32, #tpu.memory_space<vmem>>
      %dma_wait3A_333 = arith.constant 0 : i32
      %dma_wait3A_334 = tpu.memref_slice %arg4[%mul3A_2, %dma_wait3A_333] : memref<819200x128xf32, #tpu.memory_space<hbm>> -> memref<128x128xf32, #tpu.memory_space<hbm>>
      %dma_wait3A_335 = tpu.memref_slice %arg8[%dma_wait3A_328] : memref<5x!tpu.dma_semaphore, #tpu.memory_space<semaphore_mem>> -> memref<1x!tpu.dma_semaphore, #tpu.memory_space<semaphore_mem>>
      %dma_wait3A_336 = tpu.memref_squeeze %dma_wait3A_335 : memref<1x!tpu.dma_semaphore, #tpu.memory_space<semaphore_mem>> -> memref<!tpu.dma_semaphore, #tpu.memory_space<semaphore_mem>>
      %dma_wait3A_337 = arith.constant 0 : i32
      %dma_wait3A_338 = tpu.memref_slice %arg4[%mul3A_2, %dma_wait3A_337] : memref<819200x128xf32, #tpu.memory_space<hbm>> -> memref<128x128xf32, #tpu.memory_space<hbm>>
      %dma_wait3A_339 = arith.constant 0 : i32
      %dma_wait3A_340 = arith.constant 0 : i32
      %dma_wait3A_341 = tpu.memref_slice %arg6[%dma_wait3A_327, %dma_wait3A_339, %dma_wait3A_340] : memref<5x128x128xf32, #tpu.memory_space<vmem>> -> memref<1x128x128xf32, #tpu.memory_space<vmem>>
      %dma_wait3A_342 = tpu.memref_squeeze %dma_wait3A_341 : memref<1x128x128xf32, #tpu.memory_space<vmem>> -> memref<128x128xf32, #tpu.memory_space<vmem>>
      tpu.wait_dma2 semaphore(%dma_wait3A_336 : memref<!tpu.dma_semaphore, #tpu.memory_space<semaphore_mem>>) src(%dma_wait3A_342 : memref<128x128xf32, #tpu.memory_space<vmem>>) dst(%dma_wait3A_338 : memref<128x128xf32, #tpu.memory_space<hbm>>)
      %mul3A_343 = arith.constant 5 : i32
      %mul3A_344 = arith.muli %scan3A_326, %mul3A_343 : i32
      %add3A_345 = arith.constant 0 : i32
      %add3A_346 = arith.addi %mul3A_344, %add3A_345 : i32
      %dma_start3A_347 = arith.constant 0 : i32
      %dma_start3A_348 = arith.constant 0 : i32
      %dma_start3A_349 = arith.constant 0 : i32
      %dma_start3A_350 = arith.constant 0 : i32
      %dma_start3A_351 = tpu.memref_slice %arg6[%dma_start3A_347, %dma_start3A_349, %dma_start3A_350] : memref<5x128x128xf32, #tpu.memory_space<vmem>> -> memref<1x128x128xf32, #tpu.memory_space<vmem>>
      %dma_start3A_352 = tpu.memref_squeeze %dma_start3A_351 : memref<1x128x128xf32, #tpu.memory_space<vmem>> -> memref<128x128xf32, #tpu.memory_space<vmem>>
      %dma_start3A_353 = arith.constant 0 : i32
      %dma_start3A_354 = tpu.memref_slice %arg5[%add3A_346, %dma_start3A_353] : memref<200x128xi32, #tpu.memory_space<vmem>> -> memref<1x128xi32, #tpu.memory_space<vmem>>
      %dma_start3A_355 = tpu.memref_squeeze %dma_start3A_354 : memref<1x128xi32, #tpu.memory_space<vmem>> -> memref<128xi32, #tpu.memory_space<vmem>>
      %dma_start3A_356 = arith.constant 0 : i32
      %dma_start3A_357 = arith.constant 0 : i32
      %dma_start3A_358 = tpu.memref_slice %arg2[%dma_start3A_356, %dma_start3A_357] : memref<1000000x128xf32, #tpu.memory_space<hbm>> -> memref<1000000x128xf32, #tpu.memory_space<hbm>>
      %dma_start3A_359 = tpu.memref_slice %arg7[%dma_start3A_348] : memref<5x!tpu.dma_semaphore, #tpu.memory_space<semaphore_mem>> -> memref<1x!tpu.dma_semaphore, #tpu.memory_space<semaphore_mem>>
      %dma_start3A_360 = tpu.memref_squeeze %dma_start3A_359 : memref<1x!tpu.dma_semaphore, #tpu.memory_space<semaphore_mem>> -> memref<!tpu.dma_semaphore, #tpu.memory_space<semaphore_mem>>
      tpu.enqueue_indirect_dma source(%dma_start3A_358 : memref<1000000x128xf32, #tpu.memory_space<hbm>>) target(%dma_start3A_352 : memref<128x128xf32, #tpu.memory_space<vmem>>) offsets(%dma_start3A_355 : memref<128xi32, #tpu.memory_space<vmem>>) semaphore(%dma_start3A_360 : memref<!tpu.dma_semaphore, #tpu.memory_space<semaphore_mem>>)
      %dma_wait3A_361 = arith.constant 0 : i32
      %dma_wait3A_362 = arith.constant 2 : i32
      %dma_wait3A_363 = arith.constant 2 : i32
      %dma_wait3A_364 = arith.constant 0 : i32
      %dma_wait3A_365 = arith.constant 0 : i32
      %dma_wait3A_366 = tpu.memref_slice %arg6[%dma_wait3A_362, %dma_wait3A_364, %dma_wait3A_365] : memref<5x128x128xf32, #tpu.memory_space<vmem>> -> memref<1x128x128xf32, #tpu.memory_space<vmem>>
      %dma_wait3A_367 = tpu.memref_squeeze %dma_wait3A_366 : memref<1x128x128xf32, #tpu.memory_space<vmem>> -> memref<128x128xf32, #tpu.memory_space<vmem>>
      %dma_wait3A_368 = arith.constant 0 : i32
      %dma_wait3A_369 = tpu.memref_slice %arg5[%dma_wait3A_361, %dma_wait3A_368] : memref<200x128xi32, #tpu.memory_space<vmem>> -> memref<1x128xi32, #tpu.memory_space<vmem>>
      %dma_wait3A_370 = tpu.memref_squeeze %dma_wait3A_369 : memref<1x128xi32, #tpu.memory_space<vmem>> -> memref<128xi32, #tpu.memory_space<vmem>>
      %dma_wait3A_371 = arith.constant 0 : i32
      %dma_wait3A_372 = arith.constant 0 : i32
      %dma_wait3A_373 = tpu.memref_slice %arg2[%dma_wait3A_371, %dma_wait3A_372] : memref<1000000x128xf32, #tpu.memory_space<hbm>> -> memref<1000000x128xf32, #tpu.memory_space<hbm>>
      %dma_wait3A_374 = tpu.memref_slice %arg7[%dma_wait3A_363] : memref<5x!tpu.dma_semaphore, #tpu.memory_space<semaphore_mem>> -> memref<1x!tpu.dma_semaphore, #tpu.memory_space<semaphore_mem>>
      %dma_wait3A_375 = tpu.memref_squeeze %dma_wait3A_374 : memref<1x!tpu.dma_semaphore, #tpu.memory_space<semaphore_mem>> -> memref<!tpu.dma_semaphore, #tpu.memory_space<semaphore_mem>>
      tpu.wait_indirect_dma semaphore(%dma_wait3A_375 : memref<!tpu.dma_semaphore, #tpu.memory_space<semaphore_mem>>) src(%dma_wait3A_373 : memref<1000000x128xf32, #tpu.memory_space<hbm>>) dst(%dma_wait3A_367 : memref<128x128xf32, #tpu.memory_space<vmem>>)
      %mul3A_376 = arith.constant 5 : i32
      %mul3A_377 = arith.muli %scan3A_326, %mul3A_376 : i32
      %add3A_378 = arith.constant 0 : i32
      %add3A_379 = arith.addi %mul3A_377, %add3A_378 : i32
      %sub3A = arith.constant 3 : i32
      %sub3A_380 = arith.subi %add3A_379, %sub3A : i32
      %mul3A_381 = arith.constant 128 : i32
      %mul3A_382 = arith.muli %sub3A_380, %mul3A_381 : i32
      %add3A_383 = arith.addi %mul3A_2, %mul3A_382 : i32
      %dma_start3A_384 = arith.constant 2 : i32
      %dma_start3A_385 = arith.constant 2 : i32
      %dma_start3A_386 = arith.constant 0 : i32
      %dma_start3A_387 = arith.constant 0 : i32
      %dma_start3A_388 = tpu.memref_slice %arg6[%dma_start3A_384, %dma_start3A_386, %dma_start3A_387] : memref<5x128x128xf32, #tpu.memory_space<vmem>> -> memref<1x128x128xf32, #tpu.memory_space<vmem>>
      %dma_start3A_389 = tpu.memref_squeeze %dma_start3A_388 : memref<1x128x128xf32, #tpu.memory_space<vmem>> -> memref<128x128xf32, #tpu.memory_space<vmem>>
      %dma_start3A_390 = arith.constant 0 : i32
      %dma_start3A_391 = tpu.memref_slice %arg4[%add3A_383, %dma_start3A_390] : memref<819200x128xf32, #tpu.memory_space<hbm>> -> memref<128x128xf32, #tpu.memory_space<hbm>>
      %dma_start3A_392 = tpu.memref_slice %arg8[%dma_start3A_385] : memref<5x!tpu.dma_semaphore, #tpu.memory_space<semaphore_mem>> -> memref<1x!tpu.dma_semaphore, #tpu.memory_space<semaphore_mem>>
      %dma_start3A_393 = tpu.memref_squeeze %dma_start3A_392 : memref<1x!tpu.dma_semaphore, #tpu.memory_space<semaphore_mem>> -> memref<!tpu.dma_semaphore, #tpu.memory_space<semaphore_mem>>
      %dma_start3A_394 = arith.constant 0 : i32
      %dma_start3A_395 = tpu.memref_slice %arg4[%add3A_383, %dma_start3A_394] : memref<819200x128xf32, #tpu.memory_space<hbm>> -> memref<128x128xf32, #tpu.memory_space<hbm>>
      %dma_start3A_396 = arith.constant 0 : i32
      %dma_start3A_397 = arith.constant 0 : i32
      %dma_start3A_398 = tpu.memref_slice %arg6[%dma_start3A_384, %dma_start3A_396, %dma_start3A_397] : memref<5x128x128xf32, #tpu.memory_space<vmem>> -> memref<1x128x128xf32, #tpu.memory_space<vmem>>
      %dma_start3A_399 = tpu.memref_squeeze %dma_start3A_398 : memref<1x128x128xf32, #tpu.memory_space<vmem>> -> memref<128x128xf32, #tpu.memory_space<vmem>>
      tpu.enqueue_dma source(%dma_start3A_399 : memref<128x128xf32, #tpu.memory_space<vmem>>) target(%dma_start3A_395 : memref<128x128xf32, #tpu.memory_space<hbm>>) target_semaphore(%dma_start3A_393 : memref<!tpu.dma_semaphore, #tpu.memory_space<semaphore_mem>>)
      %dma_wait3A_400 = arith.constant 1 : i32
      %dma_wait3A_401 = arith.constant 1 : i32
      %dma_wait3A_402 = arith.constant 0 : i32
      %dma_wait3A_403 = arith.constant 0 : i32
      %dma_wait3A_404 = tpu.memref_slice %arg6[%dma_wait3A_400, %dma_wait3A_402, %dma_wait3A_403] : memref<5x128x128xf32, #tpu.memory_space<vmem>> -> memref<1x128x128xf32, #tpu.memory_space<vmem>>
      %dma_wait3A_405 = tpu.memref_squeeze %dma_wait3A_404 : memref<1x128x128xf32, #tpu.memory_space<vmem>> -> memref<128x128xf32, #tpu.memory_space<vmem>>
      %dma_wait3A_406 = arith.constant 0 : i32
      %dma_wait3A_407 = tpu.memref_slice %arg4[%mul3A_2, %dma_wait3A_406] : memref<819200x128xf32, #tpu.memory_space<hbm>> -> memref<128x128xf32, #tpu.memory_space<hbm>>
      %dma_wait3A_408 = tpu.memref_slice %arg8[%dma_wait3A_401] : memref<5x!tpu.dma_semaphore, #tpu.memory_space<semaphore_mem>> -> memref<1x!tpu.dma_semaphore, #tpu.memory_space<semaphore_mem>>
      %dma_wait3A_409 = tpu.memref_squeeze %dma_wait3A_408 : memref<1x!tpu.dma_semaphore, #tpu.memory_space<semaphore_mem>> -> memref<!tpu.dma_semaphore, #tpu.memory_space<semaphore_mem>>
      %dma_wait3A_410 = arith.constant 0 : i32
      %dma_wait3A_411 = tpu.memref_slice %arg4[%mul3A_2, %dma_wait3A_410] : memref<819200x128xf32, #tpu.memory_space<hbm>> -> memref<128x128xf32, #tpu.memory_space<hbm>>
      %dma_wait3A_412 = arith.constant 0 : i32
      %dma_wait3A_413 = arith.constant 0 : i32
      %dma_wait3A_414 = tpu.memref_slice %arg6[%dma_wait3A_400, %dma_wait3A_412, %dma_wait3A_413] : memref<5x128x128xf32, #tpu.memory_space<vmem>> -> memref<1x128x128xf32, #tpu.memory_space<vmem>>
      %dma_wait3A_415 = tpu.memref_squeeze %dma_wait3A_414 : memref<1x128x128xf32, #tpu.memory_space<vmem>> -> memref<128x128xf32, #tpu.memory_space<vmem>>
      tpu.wait_dma2 semaphore(%dma_wait3A_409 : memref<!tpu.dma_semaphore, #tpu.memory_space<semaphore_mem>>) src(%dma_wait3A_415 : memref<128x128xf32, #tpu.memory_space<vmem>>) dst(%dma_wait3A_411 : memref<128x128xf32, #tpu.memory_space<hbm>>)
      %mul3A_416 = arith.constant 5 : i32
      %mul3A_417 = arith.muli %scan3A_326, %mul3A_416 : i32
      %add3A_418 = arith.constant 1 : i32
      %add3A_419 = arith.addi %mul3A_417, %add3A_418 : i32
      %dma_start3A_420 = arith.constant 1 : i32
      %dma_start3A_421 = arith.constant 1 : i32
      %dma_start3A_422 = arith.constant 0 : i32
      %dma_start3A_423 = arith.constant 0 : i32
      %dma_start3A_424 = tpu.memref_slice %arg6[%dma_start3A_420, %dma_start3A_422, %dma_start3A_423] : memref<5x128x128xf32, #tpu.memory_space<vmem>> -> memref<1x128x128xf32, #tpu.memory_space<vmem>>
      %dma_start3A_425 = tpu.memref_squeeze %dma_start3A_424 : memref<1x128x128xf32, #tpu.memory_space<vmem>> -> memref<128x128xf32, #tpu.memory_space<vmem>>
      %dma_start3A_426 = arith.constant 0 : i32
      %dma_start3A_427 = tpu.memref_slice %arg5[%add3A_419, %dma_start3A_426] : memref<200x128xi32, #tpu.memory_space<vmem>> -> memref<1x128xi32, #tpu.memory_space<vmem>>
      %dma_start3A_428 = tpu.memref_squeeze %dma_start3A_427 : memref<1x128xi32, #tpu.memory_space<vmem>> -> memref<128xi32, #tpu.memory_space<vmem>>
      %dma_start3A_429 = arith.constant 0 : i32
      %dma_start3A_430 = arith.constant 0 : i32
      %dma_start3A_431 = tpu.memref_slice %arg2[%dma_start3A_429, %dma_start3A_430] : memref<1000000x128xf32, #tpu.memory_space<hbm>> -> memref<1000000x128xf32, #tpu.memory_space<hbm>>
      %dma_start3A_432 = tpu.memref_slice %arg7[%dma_start3A_421] : memref<5x!tpu.dma_semaphore, #tpu.memory_space<semaphore_mem>> -> memref<1x!tpu.dma_semaphore, #tpu.memory_space<semaphore_mem>>
      %dma_start3A_433 = tpu.memref_squeeze %dma_start3A_432 : memref<1x!tpu.dma_semaphore, #tpu.memory_space<semaphore_mem>> -> memref<!tpu.dma_semaphore, #tpu.memory_space<semaphore_mem>>
      tpu.enqueue_indirect_dma source(%dma_start3A_431 : memref<1000000x128xf32, #tpu.memory_space<hbm>>) target(%dma_start3A_425 : memref<128x128xf32, #tpu.memory_space<vmem>>) offsets(%dma_start3A_428 : memref<128xi32, #tpu.memory_space<vmem>>) semaphore(%dma_start3A_433 : memref<!tpu.dma_semaphore, #tpu.memory_space<semaphore_mem>>)
      %dma_wait3A_434 = arith.constant 0 : i32
      %dma_wait3A_435 = arith.constant 3 : i32
      %dma_wait3A_436 = arith.constant 3 : i32
      %dma_wait3A_437 = arith.constant 0 : i32
      %dma_wait3A_438 = arith.constant 0 : i32
      %dma_wait3A_439 = tpu.memref_slice %arg6[%dma_wait3A_435, %dma_wait3A_437, %dma_wait3A_438] : memref<5x128x128xf32, #tpu.memory_space<vmem>> -> memref<1x128x128xf32, #tpu.memory_space<vmem>>
      %dma_wait3A_440 = tpu.memref_squeeze %dma_wait3A_439 : memref<1x128x128xf32, #tpu.memory_space<vmem>> -> memref<128x128xf32, #tpu.memory_space<vmem>>
      %dma_wait3A_441 = arith.constant 0 : i32
      %dma_wait3A_442 = tpu.memref_slice %arg5[%dma_wait3A_434, %dma_wait3A_441] : memref<200x128xi32, #tpu.memory_space<vmem>> -> memref<1x128xi32, #tpu.memory_space<vmem>>
      %dma_wait3A_443 = tpu.memref_squeeze %dma_wait3A_442 : memref<1x128xi32, #tpu.memory_space<vmem>> -> memref<128xi32, #tpu.memory_space<vmem>>
      %dma_wait3A_444 = arith.constant 0 : i32
      %dma_wait3A_445 = arith.constant 0 : i32
      %dma_wait3A_446 = tpu.memref_slice %arg2[%dma_wait3A_444, %dma_wait3A_445] : memref<1000000x128xf32, #tpu.memory_space<hbm>> -> memref<1000000x128xf32, #tpu.memory_space<hbm>>
      %dma_wait3A_447 = tpu.memref_slice %arg7[%dma_wait3A_436] : memref<5x!tpu.dma_semaphore, #tpu.memory_space<semaphore_mem>> -> memref<1x!tpu.dma_semaphore, #tpu.memory_space<semaphore_mem>>
      %dma_wait3A_448 = tpu.memref_squeeze %dma_wait3A_447 : memref<1x!tpu.dma_semaphore, #tpu.memory_space<semaphore_mem>> -> memref<!tpu.dma_semaphore, #tpu.memory_space<semaphore_mem>>
      tpu.wait_indirect_dma semaphore(%dma_wait3A_448 : memref<!tpu.dma_semaphore, #tpu.memory_space<semaphore_mem>>) src(%dma_wait3A_446 : memref<1000000x128xf32, #tpu.memory_space<hbm>>) dst(%dma_wait3A_440 : memref<128x128xf32, #tpu.memory_space<vmem>>)
      %mul3A_449 = arith.constant 5 : i32
      %mul3A_450 = arith.muli %scan3A_326, %mul3A_449 : i32
      %add3A_451 = arith.constant 1 : i32
      %add3A_452 = arith.addi %mul3A_450, %add3A_451 : i32
      %sub3A_453 = arith.constant 3 : i32
      %sub3A_454 = arith.subi %add3A_452, %sub3A_453 : i32
      %mul3A_455 = arith.constant 128 : i32
      %mul3A_456 = arith.muli %sub3A_454, %mul3A_455 : i32
      %add3A_457 = arith.addi %mul3A_2, %mul3A_456 : i32
      %dma_start3A_458 = arith.constant 3 : i32
      %dma_start3A_459 = arith.constant 3 : i32
      %dma_start3A_460 = arith.constant 0 : i32
      %dma_start3A_461 = arith.constant 0 : i32
      %dma_start3A_462 = tpu.memref_slice %arg6[%dma_start3A_458, %dma_start3A_460, %dma_start3A_461] : memref<5x128x128xf32, #tpu.memory_space<vmem>> -> memref<1x128x128xf32, #tpu.memory_space<vmem>>
      %dma_start3A_463 = tpu.memref_squeeze %dma_start3A_462 : memref<1x128x128xf32, #tpu.memory_space<vmem>> -> memref<128x128xf32, #tpu.memory_space<vmem>>
      %dma_start3A_464 = arith.constant 0 : i32
      %dma_start3A_465 = tpu.memref_slice %arg4[%add3A_457, %dma_start3A_464] : memref<819200x128xf32, #tpu.memory_space<hbm>> -> memref<128x128xf32, #tpu.memory_space<hbm>>
      %dma_start3A_466 = tpu.memref_slice %arg8[%dma_start3A_459] : memref<5x!tpu.dma_semaphore, #tpu.memory_space<semaphore_mem>> -> memref<1x!tpu.dma_semaphore, #tpu.memory_space<semaphore_mem>>
      %dma_start3A_467 = tpu.memref_squeeze %dma_start3A_466 : memref<1x!tpu.dma_semaphore, #tpu.memory_space<semaphore_mem>> -> memref<!tpu.dma_semaphore, #tpu.memory_space<semaphore_mem>>
      %dma_start3A_468 = arith.constant 0 : i32
      %dma_start3A_469 = tpu.memref_slice %arg4[%add3A_457, %dma_start3A_468] : memref<819200x128xf32, #tpu.memory_space<hbm>> -> memref<128x128xf32, #tpu.memory_space<hbm>>
      %dma_start3A_470 = arith.constant 0 : i32
      %dma_start3A_471 = arith.constant 0 : i32
      %dma_start3A_472 = tpu.memref_slice %arg6[%dma_start3A_458, %dma_start3A_470, %dma_start3A_471] : memref<5x128x128xf32, #tpu.memory_space<vmem>> -> memref<1x128x128xf32, #tpu.memory_space<vmem>>
      %dma_start3A_473 = tpu.memref_squeeze %dma_start3A_472 : memref<1x128x128xf32, #tpu.memory_space<vmem>> -> memref<128x128xf32, #tpu.memory_space<vmem>>
      tpu.enqueue_dma source(%dma_start3A_473 : memref<128x128xf32, #tpu.memory_space<vmem>>) target(%dma_start3A_469 : memref<128x128xf32, #tpu.memory_space<hbm>>) target_semaphore(%dma_start3A_467 : memref<!tpu.dma_semaphore, #tpu.memory_space<semaphore_mem>>)
      %dma_wait3A_474 = arith.constant 2 : i32
      %dma_wait3A_475 = arith.constant 2 : i32
      %dma_wait3A_476 = arith.constant 0 : i32
      %dma_wait3A_477 = arith.constant 0 : i32
      %dma_wait3A_478 = tpu.memref_slice %arg6[%dma_wait3A_474, %dma_wait3A_476, %dma_wait3A_477] : memref<5x128x128xf32, #tpu.memory_space<vmem>> -> memref<1x128x128xf32, #tpu.memory_space<vmem>>
      %dma_wait3A_479 = tpu.memref_squeeze %dma_wait3A_478 : memref<1x128x128xf32, #tpu.memory_space<vmem>> -> memref<128x128xf32, #tpu.memory_space<vmem>>
      %dma_wait3A_480 = arith.constant 0 : i32
      %dma_wait3A_481 = tpu.memref_slice %arg4[%mul3A_2, %dma_wait3A_480] : memref<819200x128xf32, #tpu.memory_space<hbm>> -> memref<128x128xf32, #tpu.memory_space<hbm>>
      %dma_wait3A_482 = tpu.memref_slice %arg8[%dma_wait3A_475] : memref<5x!tpu.dma_semaphore, #tpu.memory_space<semaphore_mem>> -> memref<1x!tpu.dma_semaphore, #tpu.memory_space<semaphore_mem>>
      %dma_wait3A_483 = tpu.memref_squeeze %dma_wait3A_482 : memref<1x!tpu.dma_semaphore, #tpu.memory_space<semaphore_mem>> -> memref<!tpu.dma_semaphore, #tpu.memory_space<semaphore_mem>>
      %dma_wait3A_484 = arith.constant 0 : i32
      %dma_wait3A_485 = tpu.memref_slice %arg4[%mul3A_2, %dma_wait3A_484] : memref<819200x128xf32, #tpu.memory_space<hbm>> -> memref<128x128xf32, #tpu.memory_space<hbm>>
      %dma_wait3A_486 = arith.constant 0 : i32
      %dma_wait3A_487 = arith.constant 0 : i32
      %dma_wait3A_488 = tpu.memref_slice %arg6[%dma_wait3A_474, %dma_wait3A_486, %dma_wait3A_487] : memref<5x128x128xf32, #tpu.memory_space<vmem>> -> memref<1x128x128xf32, #tpu.memory_space<vmem>>
      %dma_wait3A_489 = tpu.memref_squeeze %dma_wait3A_488 : memref<1x128x128xf32, #tpu.memory_space<vmem>> -> memref<128x128xf32, #tpu.memory_space<vmem>>
      tpu.wait_dma2 semaphore(%dma_wait3A_483 : memref<!tpu.dma_semaphore, #tpu.memory_space<semaphore_mem>>) src(%dma_wait3A_489 : memref<128x128xf32, #tpu.memory_space<vmem>>) dst(%dma_wait3A_485 : memref<128x128xf32, #tpu.memory_space<hbm>>)
      %mul3A_490 = arith.constant 5 : i32
      %mul3A_491 = arith.muli %scan3A_326, %mul3A_490 : i32
      %add3A_492 = arith.constant 2 : i32
      %add3A_493 = arith.addi %mul3A_491, %add3A_492 : i32
      %dma_start3A_494 = arith.constant 2 : i32
      %dma_start3A_495 = arith.constant 2 : i32
      %dma_start3A_496 = arith.constant 0 : i32
      %dma_start3A_497 = arith.constant 0 : i32
      %dma_start3A_498 = tpu.memref_slice %arg6[%dma_start3A_494, %dma_start3A_496, %dma_start3A_497] : memref<5x128x128xf32, #tpu.memory_space<vmem>> -> memref<1x128x128xf32, #tpu.memory_space<vmem>>
      %dma_start3A_499 = tpu.memref_squeeze %dma_start3A_498 : memref<1x128x128xf32, #tpu.memory_space<vmem>> -> memref<128x128xf32, #tpu.memory_space<vmem>>
      %dma_start3A_500 = arith.constant 0 : i32
      %dma_start3A_501 = tpu.memref_slice %arg5[%add3A_493, %dma_start3A_500] : memref<200x128xi32, #tpu.memory_space<vmem>> -> memref<1x128xi32, #tpu.memory_space<vmem>>
      %dma_start3A_502 = tpu.memref_squeeze %dma_start3A_501 : memref<1x128xi32, #tpu.memory_space<vmem>> -> memref<128xi32, #tpu.memory_space<vmem>>
      %dma_start3A_503 = arith.constant 0 : i32
      %dma_start3A_504 = arith.constant 0 : i32
      %dma_start3A_505 = tpu.memref_slice %arg2[%dma_start3A_503, %dma_start3A_504] : memref<1000000x128xf32, #tpu.memory_space<hbm>> -> memref<1000000x128xf32, #tpu.memory_space<hbm>>
      %dma_start3A_506 = tpu.memref_slice %arg7[%dma_start3A_495] : memref<5x!tpu.dma_semaphore, #tpu.memory_space<semaphore_mem>> -> memref<1x!tpu.dma_semaphore, #tpu.memory_space<semaphore_mem>>
      %dma_start3A_507 = tpu.memref_squeeze %dma_start3A_506 : memref<1x!tpu.dma_semaphore, #tpu.memory_space<semaphore_mem>> -> memref<!tpu.dma_semaphore, #tpu.memory_space<semaphore_mem>>
      tpu.enqueue_indirect_dma source(%dma_start3A_505 : memref<1000000x128xf32, #tpu.memory_space<hbm>>) target(%dma_start3A_499 : memref<128x128xf32, #tpu.memory_space<vmem>>) offsets(%dma_start3A_502 : memref<128xi32, #tpu.memory_space<vmem>>) semaphore(%dma_start3A_507 : memref<!tpu.dma_semaphore, #tpu.memory_space<semaphore_mem>>)
      %dma_wait3A_508 = arith.constant 0 : i32
      %dma_wait3A_509 = arith.constant 4 : i32
      %dma_wait3A_510 = arith.constant 4 : i32
      %dma_wait3A_511 = arith.constant 0 : i32
      %dma_wait3A_512 = arith.constant 0 : i32
      %dma_wait3A_513 = tpu.memref_slice %arg6[%dma_wait3A_509, %dma_wait3A_511, %dma_wait3A_512] : memref<5x128x128xf32, #tpu.memory_space<vmem>> -> memref<1x128x128xf32, #tpu.memory_space<vmem>>
      %dma_wait3A_514 = tpu.memref_squeeze %dma_wait3A_513 : memref<1x128x128xf32, #tpu.memory_space<vmem>> -> memref<128x128xf32, #tpu.memory_space<vmem>>
      %dma_wait3A_515 = arith.constant 0 : i32
      %dma_wait3A_516 = tpu.memref_slice %arg5[%dma_wait3A_508, %dma_wait3A_515] : memref<200x128xi32, #tpu.memory_space<vmem>> -> memref<1x128xi32, #tpu.memory_space<vmem>>
      %dma_wait3A_517 = tpu.memref_squeeze %dma_wait3A_516 : memref<1x128xi32, #tpu.memory_space<vmem>> -> memref<128xi32, #tpu.memory_space<vmem>>
      %dma_wait3A_518 = arith.constant 0 : i32
      %dma_wait3A_519 = arith.constant 0 : i32
      %dma_wait3A_520 = tpu.memref_slice %arg2[%dma_wait3A_518, %dma_wait3A_519] : memref<1000000x128xf32, #tpu.memory_space<hbm>> -> memref<1000000x128xf32, #tpu.memory_space<hbm>>
      %dma_wait3A_521 = tpu.memref_slice %arg7[%dma_wait3A_510] : memref<5x!tpu.dma_semaphore, #tpu.memory_space<semaphore_mem>> -> memref<1x!tpu.dma_semaphore, #tpu.memory_space<semaphore_mem>>
      %dma_wait3A_522 = tpu.memref_squeeze %dma_wait3A_521 : memref<1x!tpu.dma_semaphore, #tpu.memory_space<semaphore_mem>> -> memref<!tpu.dma_semaphore, #tpu.memory_space<semaphore_mem>>
      tpu.wait_indirect_dma semaphore(%dma_wait3A_522 : memref<!tpu.dma_semaphore, #tpu.memory_space<semaphore_mem>>) src(%dma_wait3A_520 : memref<1000000x128xf32, #tpu.memory_space<hbm>>) dst(%dma_wait3A_514 : memref<128x128xf32, #tpu.memory_space<vmem>>)
      %mul3A_523 = arith.constant 5 : i32
      %mul3A_524 = arith.muli %scan3A_326, %mul3A_523 : i32
      %add3A_525 = arith.constant 2 : i32
      %add3A_526 = arith.addi %mul3A_524, %add3A_525 : i32
      %sub3A_527 = arith.constant 3 : i32
      %sub3A_528 = arith.subi %add3A_526, %sub3A_527 : i32
      %mul3A_529 = arith.constant 128 : i32
      %mul3A_530 = arith.muli %sub3A_528, %mul3A_529 : i32
      %add3A_531 = arith.addi %mul3A_2, %mul3A_530 : i32
      %dma_start3A_532 = arith.constant 4 : i32
      %dma_start3A_533 = arith.constant 4 : i32
      %dma_start3A_534 = arith.constant 0 : i32
      %dma_start3A_535 = arith.constant 0 : i32
      %dma_start3A_536 = tpu.memref_slice %arg6[%dma_start3A_532, %dma_start3A_534, %dma_start3A_535] : memref<5x128x128xf32, #tpu.memory_space<vmem>> -> memref<1x128x128xf32, #tpu.memory_space<vmem>>
      %dma_start3A_537 = tpu.memref_squeeze %dma_start3A_536 : memref<1x128x128xf32, #tpu.memory_space<vmem>> -> memref<128x128xf32, #tpu.memory_space<vmem>>
      %dma_start3A_538 = arith.constant 0 : i32
      %dma_start3A_539 = tpu.memref_slice %arg4[%add3A_531, %dma_start3A_538] : memref<819200x128xf32, #tpu.memory_space<hbm>> -> memref<128x128xf32, #tpu.memory_space<hbm>>
      %dma_start3A_540 = tpu.memref_slice %arg8[%dma_start3A_533] : memref<5x!tpu.dma_semaphore, #tpu.memory_space<semaphore_mem>> -> memref<1x!tpu.dma_semaphore, #tpu.memory_space<semaphore_mem>>
      %dma_start3A_541 = tpu.memref_squeeze %dma_start3A_540 : memref<1x!tpu.dma_semaphore, #tpu.memory_space<semaphore_mem>> -> memref<!tpu.dma_semaphore, #tpu.memory_space<semaphore_mem>>
      %dma_start3A_542 = arith.constant 0 : i32
      %dma_start3A_543 = tpu.memref_slice %arg4[%add3A_531, %dma_start3A_542] : memref<819200x128xf32, #tpu.memory_space<hbm>> -> memref<128x128xf32, #tpu.memory_space<hbm>>
      %dma_start3A_544 = arith.constant 0 : i32
      %dma_start3A_545 = arith.constant 0 : i32
      %dma_start3A_546 = tpu.memref_slice %arg6[%dma_start3A_532, %dma_start3A_544, %dma_start3A_545] : memref<5x128x128xf32, #tpu.memory_space<vmem>> -> memref<1x128x128xf32, #tpu.memory_space<vmem>>
      %dma_start3A_547 = tpu.memref_squeeze %dma_start3A_546 : memref<1x128x128xf32, #tpu.memory_space<vmem>> -> memref<128x128xf32, #tpu.memory_space<vmem>>
      tpu.enqueue_dma source(%dma_start3A_547 : memref<128x128xf32, #tpu.memory_space<vmem>>) target(%dma_start3A_543 : memref<128x128xf32, #tpu.memory_space<hbm>>) target_semaphore(%dma_start3A_541 : memref<!tpu.dma_semaphore, #tpu.memory_space<semaphore_mem>>)
      %dma_wait3A_548 = arith.constant 3 : i32
      %dma_wait3A_549 = arith.constant 3 : i32
      %dma_wait3A_550 = arith.constant 0 : i32
      %dma_wait3A_551 = arith.constant 0 : i32
      %dma_wait3A_552 = tpu.memref_slice %arg6[%dma_wait3A_548, %dma_wait3A_550, %dma_wait3A_551] : memref<5x128x128xf32, #tpu.memory_space<vmem>> -> memref<1x128x128xf32, #tpu.memory_space<vmem>>
      %dma_wait3A_553 = tpu.memref_squeeze %dma_wait3A_552 : memref<1x128x128xf32, #tpu.memory_space<vmem>> -> memref<128x128xf32, #tpu.memory_space<vmem>>
      %dma_wait3A_554 = arith.constant 0 : i32
      %dma_wait3A_555 = tpu.memref_slice %arg4[%mul3A_2, %dma_wait3A_554] : memref<819200x128xf32, #tpu.memory_space<hbm>> -> memref<128x128xf32, #tpu.memory_space<hbm>>
      %dma_wait3A_556 = tpu.memref_slice %arg8[%dma_wait3A_549] : memref<5x!tpu.dma_semaphore, #tpu.memory_space<semaphore_mem>> -> memref<1x!tpu.dma_semaphore, #tpu.memory_space<semaphore_mem>>
      %dma_wait3A_557 = tpu.memref_squeeze %dma_wait3A_556 : memref<1x!tpu.dma_semaphore, #tpu.memory_space<semaphore_mem>> -> memref<!tpu.dma_semaphore, #tpu.memory_space<semaphore_mem>>
      %dma_wait3A_558 = arith.constant 0 : i32
      %dma_wait3A_559 = tpu.memref_slice %arg4[%mul3A_2, %dma_wait3A_558] : memref<819200x128xf32, #tpu.memory_space<hbm>> -> memref<128x128xf32, #tpu.memory_space<hbm>>
      %dma_wait3A_560 = arith.constant 0 : i32
      %dma_wait3A_561 = arith.constant 0 : i32
      %dma_wait3A_562 = tpu.memref_slice %arg6[%dma_wait3A_548, %dma_wait3A_560, %dma_wait3A_561] : memref<5x128x128xf32, #tpu.memory_space<vmem>> -> memref<1x128x128xf32, #tpu.memory_space<vmem>>
      %dma_wait3A_563 = tpu.memref_squeeze %dma_wait3A_562 : memref<1x128x128xf32, #tpu.memory_space<vmem>> -> memref<128x128xf32, #tpu.memory_space<vmem>>
      tpu.wait_dma2 semaphore(%dma_wait3A_557 : memref<!tpu.dma_semaphore, #tpu.memory_space<semaphore_mem>>) src(%dma_wait3A_563 : memref<128x128xf32, #tpu.memory_space<vmem>>) dst(%dma_wait3A_559 : memref<128x128xf32, #tpu.memory_space<hbm>>)
      %mul3A_564 = arith.constant 5 : i32
      %mul3A_565 = arith.muli %scan3A_326, %mul3A_564 : i32
      %add3A_566 = arith.constant 3 : i32
      %add3A_567 = arith.addi %mul3A_565, %add3A_566 : i32
      %dma_start3A_568 = arith.constant 3 : i32
      %dma_start3A_569 = arith.constant 3 : i32
      %dma_start3A_570 = arith.constant 0 : i32
      %dma_start3A_571 = arith.constant 0 : i32
      %dma_start3A_572 = tpu.memref_slice %arg6[%dma_start3A_568, %dma_start3A_570, %dma_start3A_571] : memref<5x128x128xf32, #tpu.memory_space<vmem>> -> memref<1x128x128xf32, #tpu.memory_space<vmem>>
      %dma_start3A_573 = tpu.memref_squeeze %dma_start3A_572 : memref<1x128x128xf32, #tpu.memory_space<vmem>> -> memref<128x128xf32, #tpu.memory_space<vmem>>
      %dma_start3A_574 = arith.constant 0 : i32
      %dma_start3A_575 = tpu.memref_slice %arg5[%add3A_567, %dma_start3A_574] : memref<200x128xi32, #tpu.memory_space<vmem>> -> memref<1x128xi32, #tpu.memory_space<vmem>>
      %dma_start3A_576 = tpu.memref_squeeze %dma_start3A_575 : memref<1x128xi32, #tpu.memory_space<vmem>> -> memref<128xi32, #tpu.memory_space<vmem>>
      %dma_start3A_577 = arith.constant 0 : i32
      %dma_start3A_578 = arith.constant 0 : i32
      %dma_start3A_579 = tpu.memref_slice %arg2[%dma_start3A_577, %dma_start3A_578] : memref<1000000x128xf32, #tpu.memory_space<hbm>> -> memref<1000000x128xf32, #tpu.memory_space<hbm>>
      %dma_start3A_580 = tpu.memref_slice %arg7[%dma_start3A_569] : memref<5x!tpu.dma_semaphore, #tpu.memory_space<semaphore_mem>> -> memref<1x!tpu.dma_semaphore, #tpu.memory_space<semaphore_mem>>
      %dma_start3A_581 = tpu.memref_squeeze %dma_start3A_580 : memref<1x!tpu.dma_semaphore, #tpu.memory_space<semaphore_mem>> -> memref<!tpu.dma_semaphore, #tpu.memory_space<semaphore_mem>>
      tpu.enqueue_indirect_dma source(%dma_start3A_579 : memref<1000000x128xf32, #tpu.memory_space<hbm>>) target(%dma_start3A_573 : memref<128x128xf32, #tpu.memory_space<vmem>>) offsets(%dma_start3A_576 : memref<128xi32, #tpu.memory_space<vmem>>) semaphore(%dma_start3A_581 : memref<!tpu.dma_semaphore, #tpu.memory_space<semaphore_mem>>)
      %dma_wait3A_582 = arith.constant 0 : i32
      %dma_wait3A_583 = arith.constant 0 : i32
      %dma_wait3A_584 = arith.constant 0 : i32
      %dma_wait3A_585 = arith.constant 0 : i32
      %dma_wait3A_586 = arith.constant 0 : i32
      %dma_wait3A_587 = tpu.memref_slice %arg6[%dma_wait3A_583, %dma_wait3A_585, %dma_wait3A_586] : memref<5x128x128xf32, #tpu.memory_space<vmem>> -> memref<1x128x128xf32, #tpu.memory_space<vmem>>
      %dma_wait3A_588 = tpu.memref_squeeze %dma_wait3A_587 : memref<1x128x128xf32, #tpu.memory_space<vmem>> -> memref<128x128xf32, #tpu.memory_space<vmem>>
      %dma_wait3A_589 = arith.constant 0 : i32
      %dma_wait3A_590 = tpu.memref_slice %arg5[%dma_wait3A_582, %dma_wait3A_589] : memref<200x128xi32, #tpu.memory_space<vmem>> -> memref<1x128xi32, #tpu.memory_space<vmem>>
      %dma_wait3A_591 = tpu.memref_squeeze %dma_wait3A_590 : memref<1x128xi32, #tpu.memory_space<vmem>> -> memref<128xi32, #tpu.memory_space<vmem>>
      %dma_wait3A_592 = arith.constant 0 : i32
      %dma_wait3A_593 = arith.constant 0 : i32
      %dma_wait3A_594 = tpu.memref_slice %arg2[%dma_wait3A_592, %dma_wait3A_593] : memref<1000000x128xf32, #tpu.memory_space<hbm>> -> memref<1000000x128xf32, #tpu.memory_space<hbm>>
      %dma_wait3A_595 = tpu.memref_slice %arg7[%dma_wait3A_584] : memref<5x!tpu.dma_semaphore, #tpu.memory_space<semaphore_mem>> -> memref<1x!tpu.dma_semaphore, #tpu.memory_space<semaphore_mem>>
      %dma_wait3A_596 = tpu.memref_squeeze %dma_wait3A_595 : memref<1x!tpu.dma_semaphore, #tpu.memory_space<semaphore_mem>> -> memref<!tpu.dma_semaphore, #tpu.memory_space<semaphore_mem>>
      tpu.wait_indirect_dma semaphore(%dma_wait3A_596 : memref<!tpu.dma_semaphore, #tpu.memory_space<semaphore_mem>>) src(%dma_wait3A_594 : memref<1000000x128xf32, #tpu.memory_space<hbm>>) dst(%dma_wait3A_588 : memref<128x128xf32, #tpu.memory_space<vmem>>)
      %mul3A_597 = arith.constant 5 : i32
      %mul3A_598 = arith.muli %scan3A_326, %mul3A_597 : i32
      %add3A_599 = arith.constant 3 : i32
      %add3A_600 = arith.addi %mul3A_598, %add3A_599 : i32
      %sub3A_601 = arith.constant 3 : i32
      %sub3A_602 = arith.subi %add3A_600, %sub3A_601 : i32
      %mul3A_603 = arith.constant 128 : i32
      %mul3A_604 = arith.muli %sub3A_602, %mul3A_603 : i32
      %add3A_605 = arith.addi %mul3A_2, %mul3A_604 : i32
      %dma_start3A_606 = arith.constant 0 : i32
      %dma_start3A_607 = arith.constant 0 : i32
      %dma_start3A_608 = arith.constant 0 : i32
      %dma_start3A_609 = arith.constant 0 : i32
      %dma_start3A_610 = tpu.memref_slice %arg6[%dma_start3A_606, %dma_start3A_608, %dma_start3A_609] : memref<5x128x128xf32, #tpu.memory_space<vmem>> -> memref<1x128x128xf32, #tpu.memory_space<vmem>>
      %dma_start3A_611 = tpu.memref_squeeze %dma_start3A_610 : memref<1x128x128xf32, #tpu.memory_space<vmem>> -> memref<128x128xf32, #tpu.memory_space<vmem>>
      %dma_start3A_612 = arith.constant 0 : i32
      %dma_start3A_613 = tpu.memref_slice %arg4[%add3A_605, %dma_start3A_612] : memref<819200x128xf32, #tpu.memory_space<hbm>> -> memref<128x128xf32, #tpu.memory_space<hbm>>
      %dma_start3A_614 = tpu.memref_slice %arg8[%dma_start3A_607] : memref<5x!tpu.dma_semaphore, #tpu.memory_space<semaphore_mem>> -> memref<1x!tpu.dma_semaphore, #tpu.memory_space<semaphore_mem>>
      %dma_start3A_615 = tpu.memref_squeeze %dma_start3A_614 : memref<1x!tpu.dma_semaphore, #tpu.memory_space<semaphore_mem>> -> memref<!tpu.dma_semaphore, #tpu.memory_space<semaphore_mem>>
      %dma_start3A_616 = arith.constant 0 : i32
      %dma_start3A_617 = tpu.memref_slice %arg4[%add3A_605, %dma_start3A_616] : memref<819200x128xf32, #tpu.memory_space<hbm>> -> memref<128x128xf32, #tpu.memory_space<hbm>>
      %dma_start3A_618 = arith.constant 0 : i32
      %dma_start3A_619 = arith.constant 0 : i32
      %dma_start3A_620 = tpu.memref_slice %arg6[%dma_start3A_606, %dma_start3A_618, %dma_start3A_619] : memref<5x128x128xf32, #tpu.memory_space<vmem>> -> memref<1x128x128xf32, #tpu.memory_space<vmem>>
      %dma_start3A_621 = tpu.memref_squeeze %dma_start3A_620 : memref<1x128x128xf32, #tpu.memory_space<vmem>> -> memref<128x128xf32, #tpu.memory_space<vmem>>
      tpu.enqueue_dma source(%dma_start3A_621 : memref<128x128xf32, #tpu.memory_space<vmem>>) target(%dma_start3A_617 : memref<128x128xf32, #tpu.memory_space<hbm>>) target_semaphore(%dma_start3A_615 : memref<!tpu.dma_semaphore, #tpu.memory_space<semaphore_mem>>)
      %dma_wait3A_622 = arith.constant 4 : i32
      %dma_wait3A_623 = arith.constant 4 : i32
      %dma_wait3A_624 = arith.constant 0 : i32
      %dma_wait3A_625 = arith.constant 0 : i32
      %dma_wait3A_626 = tpu.memref_slice %arg6[%dma_wait3A_622, %dma_wait3A_624, %dma_wait3A_625] : memref<5x128x128xf32, #tpu.memory_space<vmem>> -> memref<1x128x128xf32, #tpu.memory_space<vmem>>
      %dma_wait3A_627 = tpu.memref_squeeze %dma_wait3A_626 : memref<1x128x128xf32, #tpu.memory_space<vmem>> -> memref<128x128xf32, #tpu.memory_space<vmem>>
      %dma_wait3A_628 = arith.constant 0 : i32
      %dma_wait3A_629 = tpu.memref_slice %arg4[%mul3A_2, %dma_wait3A_628] : memref<819200x128xf32, #tpu.memory_space<hbm>> -> memref<128x128xf32, #tpu.memory_space<hbm>>
      %dma_wait3A_630 = tpu.memref_slice %arg8[%dma_wait3A_623] : memref<5x!tpu.dma_semaphore, #tpu.memory_space<semaphore_mem>> -> memref<1x!tpu.dma_semaphore, #tpu.memory_space<semaphore_mem>>
      %dma_wait3A_631 = tpu.memref_squeeze %dma_wait3A_630 : memref<1x!tpu.dma_semaphore, #tpu.memory_space<semaphore_mem>> -> memref<!tpu.dma_semaphore, #tpu.memory_space<semaphore_mem>>
      %dma_wait3A_632 = arith.constant 0 : i32
      %dma_wait3A_633 = tpu.memref_slice %arg4[%mul3A_2, %dma_wait3A_632] : memref<819200x128xf32, #tpu.memory_space<hbm>> -> memref<128x128xf32, #tpu.memory_space<hbm>>
      %dma_wait3A_634 = arith.constant 0 : i32
      %dma_wait3A_635 = arith.constant 0 : i32
      %dma_wait3A_636 = tpu.memref_slice %arg6[%dma_wait3A_622, %dma_wait3A_634, %dma_wait3A_635] : memref<5x128x128xf32, #tpu.memory_space<vmem>> -> memref<1x128x128xf32, #tpu.memory_space<vmem>>
      %dma_wait3A_637 = tpu.memref_squeeze %dma_wait3A_636 : memref<1x128x128xf32, #tpu.memory_space<vmem>> -> memref<128x128xf32, #tpu.memory_space<vmem>>
      tpu.wait_dma2 semaphore(%dma_wait3A_631 : memref<!tpu.dma_semaphore, #tpu.memory_space<semaphore_mem>>) src(%dma_wait3A_637 : memref<128x128xf32, #tpu.memory_space<vmem>>) dst(%dma_wait3A_633 : memref<128x128xf32, #tpu.memory_space<hbm>>)
      %mul3A_638 = arith.constant 5 : i32
      %mul3A_639 = arith.muli %scan3A_326, %mul3A_638 : i32
      %add3A_640 = arith.constant 4 : i32
      %add3A_641 = arith.addi %mul3A_639, %add3A_640 : i32
      %dma_start3A_642 = arith.constant 4 : i32
      %dma_start3A_643 = arith.constant 4 : i32
      %dma_start3A_644 = arith.constant 0 : i32
      %dma_start3A_645 = arith.constant 0 : i32
      %dma_start3A_646 = tpu.memref_slice %arg6[%dma_start3A_642, %dma_start3A_644, %dma_start3A_645] : memref<5x128x128xf32, #tpu.memory_space<vmem>> -> memref<1x128x128xf32, #tpu.memory_space<vmem>>
      %dma_start3A_647 = tpu.memref_squeeze %dma_start3A_646 : memref<1x128x128xf32, #tpu.memory_space<vmem>> -> memref<128x128xf32, #tpu.memory_space<vmem>>
      %dma_start3A_648 = arith.constant 0 : i32
      %dma_start3A_649 = tpu.memref_slice %arg5[%add3A_641, %dma_start3A_648] : memref<200x128xi32, #tpu.memory_space<vmem>> -> memref<1x128xi32, #tpu.memory_space<vmem>>
      %dma_start3A_650 = tpu.memref_squeeze %dma_start3A_649 : memref<1x128xi32, #tpu.memory_space<vmem>> -> memref<128xi32, #tpu.memory_space<vmem>>
      %dma_start3A_651 = arith.constant 0 : i32
      %dma_start3A_652 = arith.constant 0 : i32
      %dma_start3A_653 = tpu.memref_slice %arg2[%dma_start3A_651, %dma_start3A_652] : memref<1000000x128xf32, #tpu.memory_space<hbm>> -> memref<1000000x128xf32, #tpu.memory_space<hbm>>
      %dma_start3A_654 = tpu.memref_slice %arg7[%dma_start3A_643] : memref<5x!tpu.dma_semaphore, #tpu.memory_space<semaphore_mem>> -> memref<1x!tpu.dma_semaphore, #tpu.memory_space<semaphore_mem>>
      %dma_start3A_655 = tpu.memref_squeeze %dma_start3A_654 : memref<1x!tpu.dma_semaphore, #tpu.memory_space<semaphore_mem>> -> memref<!tpu.dma_semaphore, #tpu.memory_space<semaphore_mem>>
      tpu.enqueue_indirect_dma source(%dma_start3A_653 : memref<1000000x128xf32, #tpu.memory_space<hbm>>) target(%dma_start3A_647 : memref<128x128xf32, #tpu.memory_space<vmem>>) offsets(%dma_start3A_650 : memref<128xi32, #tpu.memory_space<vmem>>) semaphore(%dma_start3A_655 : memref<!tpu.dma_semaphore, #tpu.memory_space<semaphore_mem>>)
      %dma_wait3A_656 = arith.constant 0 : i32
      %dma_wait3A_657 = arith.constant 1 : i32
      %dma_wait3A_658 = arith.constant 1 : i32
      %dma_wait3A_659 = arith.constant 0 : i32
      %dma_wait3A_660 = arith.constant 0 : i32
      %dma_wait3A_661 = tpu.memref_slice %arg6[%dma_wait3A_657, %dma_wait3A_659, %dma_wait3A_660] : memref<5x128x128xf32, #tpu.memory_space<vmem>> -> memref<1x128x128xf32, #tpu.memory_space<vmem>>
      %dma_wait3A_662 = tpu.memref_squeeze %dma_wait3A_661 : memref<1x128x128xf32, #tpu.memory_space<vmem>> -> memref<128x128xf32, #tpu.memory_space<vmem>>
      %dma_wait3A_663 = arith.constant 0 : i32
      %dma_wait3A_664 = tpu.memref_slice %arg5[%dma_wait3A_656, %dma_wait3A_663] : memref<200x128xi32, #tpu.memory_space<vmem>> -> memref<1x128xi32, #tpu.memory_space<vmem>>
      %dma_wait3A_665 = tpu.memref_squeeze %dma_wait3A_664 : memref<1x128xi32, #tpu.memory_space<vmem>> -> memref<128xi32, #tpu.memory_space<vmem>>
      %dma_wait3A_666 = arith.constant 0 : i32
      %dma_wait3A_667 = arith.constant 0 : i32
      %dma_wait3A_668 = tpu.memref_slice %arg2[%dma_wait3A_666, %dma_wait3A_667] : memref<1000000x128xf32, #tpu.memory_space<hbm>> -> memref<1000000x128xf32, #tpu.memory_space<hbm>>
      %dma_wait3A_669 = tpu.memref_slice %arg7[%dma_wait3A_658] : memref<5x!tpu.dma_semaphore, #tpu.memory_space<semaphore_mem>> -> memref<1x!tpu.dma_semaphore, #tpu.memory_space<semaphore_mem>>
      %dma_wait3A_670 = tpu.memref_squeeze %dma_wait3A_669 : memref<1x!tpu.dma_semaphore, #tpu.memory_space<semaphore_mem>> -> memref<!tpu.dma_semaphore, #tpu.memory_space<semaphore_mem>>
      tpu.wait_indirect_dma semaphore(%dma_wait3A_670 : memref<!tpu.dma_semaphore, #tpu.memory_space<semaphore_mem>>) src(%dma_wait3A_668 : memref<1000000x128xf32, #tpu.memory_space<hbm>>) dst(%dma_wait3A_662 : memref<128x128xf32, #tpu.memory_space<vmem>>)
      %mul3A_671 = arith.constant 5 : i32
      %mul3A_672 = arith.muli %scan3A_326, %mul3A_671 : i32
      %add3A_673 = arith.constant 4 : i32
      %add3A_674 = arith.addi %mul3A_672, %add3A_673 : i32
      %sub3A_675 = arith.constant 3 : i32
      %sub3A_676 = arith.subi %add3A_674, %sub3A_675 : i32
      %mul3A_677 = arith.constant 128 : i32
      %mul3A_678 = arith.muli %sub3A_676, %mul3A_677 : i32
      %add3A_679 = arith.addi %mul3A_2, %mul3A_678 : i32
      %dma_start3A_680 = arith.constant 1 : i32
      %dma_start3A_681 = arith.constant 1 : i32
      %dma_start3A_682 = arith.constant 0 : i32
      %dma_start3A_683 = arith.constant 0 : i32
      %dma_start3A_684 = tpu.memref_slice %arg6[%dma_start3A_680, %dma_start3A_682, %dma_start3A_683] : memref<5x128x128xf32, #tpu.memory_space<vmem>> -> memref<1x128x128xf32, #tpu.memory_space<vmem>>
      %dma_start3A_685 = tpu.memref_squeeze %dma_start3A_684 : memref<1x128x128xf32, #tpu.memory_space<vmem>> -> memref<128x128xf32, #tpu.memory_space<vmem>>
      %dma_start3A_686 = arith.constant 0 : i32
      %dma_start3A_687 = tpu.memref_slice %arg4[%add3A_679, %dma_start3A_686] : memref<819200x128xf32, #tpu.memory_space<hbm>> -> memref<128x128xf32, #tpu.memory_space<hbm>>
      %dma_start3A_688 = tpu.memref_slice %arg8[%dma_start3A_681] : memref<5x!tpu.dma_semaphore, #tpu.memory_space<semaphore_mem>> -> memref<1x!tpu.dma_semaphore, #tpu.memory_space<semaphore_mem>>
      %dma_start3A_689 = tpu.memref_squeeze %dma_start3A_688 : memref<1x!tpu.dma_semaphore, #tpu.memory_space<semaphore_mem>> -> memref<!tpu.dma_semaphore, #tpu.memory_space<semaphore_mem>>
      %dma_start3A_690 = arith.constant 0 : i32
      %dma_start3A_691 = tpu.memref_slice %arg4[%add3A_679, %dma_start3A_690] : memref<819200x128xf32, #tpu.memory_space<hbm>> -> memref<128x128xf32, #tpu.memory_space<hbm>>
      %dma_start3A_692 = arith.constant 0 : i32
      %dma_start3A_693 = arith.constant 0 : i32
      %dma_start3A_694 = tpu.memref_slice %arg6[%dma_start3A_680, %dma_start3A_692, %dma_start3A_693] : memref<5x128x128xf32, #tpu.memory_space<vmem>> -> memref<1x128x128xf32, #tpu.memory_space<vmem>>
      %dma_start3A_695 = tpu.memref_squeeze %dma_start3A_694 : memref<1x128x128xf32, #tpu.memory_space<vmem>> -> memref<128x128xf32, #tpu.memory_space<vmem>>
      tpu.enqueue_dma source(%dma_start3A_695 : memref<128x128xf32, #tpu.memory_space<vmem>>) target(%dma_start3A_691 : memref<128x128xf32, #tpu.memory_space<hbm>>) target_semaphore(%dma_start3A_689 : memref<!tpu.dma_semaphore, #tpu.memory_space<semaphore_mem>>)
    }
    %scan3A_146 = arith.constant 39 : i32
    %dma_wait3A_147 = arith.constant 0 : i32
    %dma_wait3A_148 = arith.constant 2 : i32
    %dma_wait3A_149 = arith.constant 2 : i32
    %dma_wait3A_150 = arith.constant 0 : i32
    %dma_wait3A_151 = arith.constant 0 : i32
    %dma_wait3A_152 = tpu.memref_slice %arg6[%dma_wait3A_148, %dma_wait3A_150, %dma_wait3A_151] : memref<5x128x128xf32, #tpu.memory_space<vmem>> -> memref<1x128x128xf32, #tpu.memory_space<vmem>>
    %dma_wait3A_153 = tpu.memref_squeeze %dma_wait3A_152 : memref<1x128x128xf32, #tpu.memory_space<vmem>> -> memref<128x128xf32, #tpu.memory_space<vmem>>
    %dma_wait3A_154 = arith.constant 0 : i32
    %dma_wait3A_155 = tpu.memref_slice %arg5[%dma_wait3A_147, %dma_wait3A_154] : memref<200x128xi32, #tpu.memory_space<vmem>> -> memref<1x128xi32, #tpu.memory_space<vmem>>
    %dma_wait3A_156 = tpu.memref_squeeze %dma_wait3A_155 : memref<1x128xi32, #tpu.memory_space<vmem>> -> memref<128xi32, #tpu.memory_space<vmem>>
    %dma_wait3A_157 = arith.constant 0 : i32
    %dma_wait3A_158 = arith.constant 0 : i32
    %dma_wait3A_159 = tpu.memref_slice %arg2[%dma_wait3A_157, %dma_wait3A_158] : memref<1000000x128xf32, #tpu.memory_space<hbm>> -> memref<1000000x128xf32, #tpu.memory_space<hbm>>
    %dma_wait3A_160 = tpu.memref_slice %arg7[%dma_wait3A_149] : memref<5x!tpu.dma_semaphore, #tpu.memory_space<semaphore_mem>> -> memref<1x!tpu.dma_semaphore, #tpu.memory_space<semaphore_mem>>
    %dma_wait3A_161 = tpu.memref_squeeze %dma_wait3A_160 : memref<1x!tpu.dma_semaphore, #tpu.memory_space<semaphore_mem>> -> memref<!tpu.dma_semaphore, #tpu.memory_space<semaphore_mem>>
    tpu.wait_indirect_dma semaphore(%dma_wait3A_161 : memref<!tpu.dma_semaphore, #tpu.memory_space<semaphore_mem>>) src(%dma_wait3A_159 : memref<1000000x128xf32, #tpu.memory_space<hbm>>) dst(%dma_wait3A_153 : memref<128x128xf32, #tpu.memory_space<vmem>>)
    %add3A_162 = arith.constant 25216 : i32
    %add3A_163 = arith.addi %mul3A_2, %add3A_162 : i32
    %dma_start3A_164 = arith.constant 2 : i32
    %dma_start3A_165 = arith.constant 2 : i32
    %dma_start3A_166 = arith.constant 0 : i32
    %dma_start3A_167 = arith.constant 0 : i32
    %dma_start3A_168 = tpu.memref_slice %arg6[%dma_start3A_164, %dma_start3A_166, %dma_start3A_167] : memref<5x128x128xf32, #tpu.memory_space<vmem>> -> memref<1x128x128xf32, #tpu.memory_space<vmem>>
    %dma_start3A_169 = tpu.memref_squeeze %dma_start3A_168 : memref<1x128x128xf32, #tpu.memory_space<vmem>> -> memref<128x128xf32, #tpu.memory_space<vmem>>
    %dma_start3A_170 = arith.constant 0 : i32
    %dma_start3A_171 = tpu.memref_slice %arg4[%add3A_163, %dma_start3A_170] : memref<819200x128xf32, #tpu.memory_space<hbm>> -> memref<128x128xf32, #tpu.memory_space<hbm>>
    %dma_start3A_172 = tpu.memref_slice %arg8[%dma_start3A_165] : memref<5x!tpu.dma_semaphore, #tpu.memory_space<semaphore_mem>> -> memref<1x!tpu.dma_semaphore, #tpu.memory_space<semaphore_mem>>
    %dma_start3A_173 = tpu.memref_squeeze %dma_start3A_172 : memref<1x!tpu.dma_semaphore, #tpu.memory_space<semaphore_mem>> -> memref<!tpu.dma_semaphore, #tpu.memory_space<semaphore_mem>>
    %dma_start3A_174 = arith.constant 0 : i32
    %dma_start3A_175 = tpu.memref_slice %arg4[%add3A_163, %dma_start3A_174] : memref<819200x128xf32, #tpu.memory_space<hbm>> -> memref<128x128xf32, #tpu.memory_space<hbm>>
    %dma_start3A_176 = arith.constant 0 : i32
    %dma_start3A_177 = arith.constant 0 : i32
    %dma_start3A_178 = tpu.memref_slice %arg6[%dma_start3A_164, %dma_start3A_176, %dma_start3A_177] : memref<5x128x128xf32, #tpu.memory_space<vmem>> -> memref<1x128x128xf32, #tpu.memory_space<vmem>>
    %dma_start3A_179 = tpu.memref_squeeze %dma_start3A_178 : memref<1x128x128xf32, #tpu.memory_space<vmem>> -> memref<128x128xf32, #tpu.memory_space<vmem>>
    tpu.enqueue_dma source(%dma_start3A_179 : memref<128x128xf32, #tpu.memory_space<vmem>>) target(%dma_start3A_175 : memref<128x128xf32, #tpu.memory_space<hbm>>) target_semaphore(%dma_start3A_173 : memref<!tpu.dma_semaphore, #tpu.memory_space<semaphore_mem>>)
    %dma_wait3A_180 = arith.constant 0 : i32
    %dma_wait3A_181 = arith.constant 3 : i32
    %dma_wait3A_182 = arith.constant 3 : i32
    %dma_wait3A_183 = arith.constant 0 : i32
    %dma_wait3A_184 = arith.constant 0 : i32
    %dma_wait3A_185 = tpu.memref_slice %arg6[%dma_wait3A_181, %dma_wait3A_183, %dma_wait3A_184] : memref<5x128x128xf32, #tpu.memory_space<vmem>> -> memref<1x128x128xf32, #tpu.memory_space<vmem>>
    %dma_wait3A_186 = tpu.memref_squeeze %dma_wait3A_185 : memref<1x128x128xf32, #tpu.memory_space<vmem>> -> memref<128x128xf32, #tpu.memory_space<vmem>>
    %dma_wait3A_187 = arith.constant 0 : i32
    %dma_wait3A_188 = tpu.memref_slice %arg5[%dma_wait3A_180, %dma_wait3A_187] : memref<200x128xi32, #tpu.memory_space<vmem>> -> memref<1x128xi32, #tpu.memory_space<vmem>>
    %dma_wait3A_189 = tpu.memref_squeeze %dma_wait3A_188 : memref<1x128xi32, #tpu.memory_space<vmem>> -> memref<128xi32, #tpu.memory_space<vmem>>
    %dma_wait3A_190 = arith.constant 0 : i32
    %dma_wait3A_191 = arith.constant 0 : i32
    %dma_wait3A_192 = tpu.memref_slice %arg2[%dma_wait3A_190, %dma_wait3A_191] : memref<1000000x128xf32, #tpu.memory_space<hbm>> -> memref<1000000x128xf32, #tpu.memory_space<hbm>>
    %dma_wait3A_193 = tpu.memref_slice %arg7[%dma_wait3A_182] : memref<5x!tpu.dma_semaphore, #tpu.memory_space<semaphore_mem>> -> memref<1x!tpu.dma_semaphore, #tpu.memory_space<semaphore_mem>>
    %dma_wait3A_194 = tpu.memref_squeeze %dma_wait3A_193 : memref<1x!tpu.dma_semaphore, #tpu.memory_space<semaphore_mem>> -> memref<!tpu.dma_semaphore, #tpu.memory_space<semaphore_mem>>
    tpu.wait_indirect_dma semaphore(%dma_wait3A_194 : memref<!tpu.dma_semaphore, #tpu.memory_space<semaphore_mem>>) src(%dma_wait3A_192 : memref<1000000x128xf32, #tpu.memory_space<hbm>>) dst(%dma_wait3A_186 : memref<128x128xf32, #tpu.memory_space<vmem>>)
    %add3A_195 = arith.constant 25344 : i32
    %add3A_196 = arith.addi %mul3A_2, %add3A_195 : i32
    %dma_start3A_197 = arith.constant 3 : i32
    %dma_start3A_198 = arith.constant 3 : i32
    %dma_start3A_199 = arith.constant 0 : i32
    %dma_start3A_200 = arith.constant 0 : i32
    %dma_start3A_201 = tpu.memref_slice %arg6[%dma_start3A_197, %dma_start3A_199, %dma_start3A_200] : memref<5x128x128xf32, #tpu.memory_space<vmem>> -> memref<1x128x128xf32, #tpu.memory_space<vmem>>
    %dma_start3A_202 = tpu.memref_squeeze %dma_start3A_201 : memref<1x128x128xf32, #tpu.memory_space<vmem>> -> memref<128x128xf32, #tpu.memory_space<vmem>>
    %dma_start3A_203 = arith.constant 0 : i32
    %dma_start3A_204 = tpu.memref_slice %arg4[%add3A_196, %dma_start3A_203] : memref<819200x128xf32, #tpu.memory_space<hbm>> -> memref<128x128xf32, #tpu.memory_space<hbm>>
    %dma_start3A_205 = tpu.memref_slice %arg8[%dma_start3A_198] : memref<5x!tpu.dma_semaphore, #tpu.memory_space<semaphore_mem>> -> memref<1x!tpu.dma_semaphore, #tpu.memory_space<semaphore_mem>>
    %dma_start3A_206 = tpu.memref_squeeze %dma_start3A_205 : memref<1x!tpu.dma_semaphore, #tpu.memory_space<semaphore_mem>> -> memref<!tpu.dma_semaphore, #tpu.memory_space<semaphore_mem>>
    %dma_start3A_207 = arith.constant 0 : i32
    %dma_start3A_208 = tpu.memref_slice %arg4[%add3A_196, %dma_start3A_207] : memref<819200x128xf32, #tpu.memory_space<hbm>> -> memref<128x128xf32, #tpu.memory_space<hbm>>
    %dma_start3A_209 = arith.constant 0 : i32
    %dma_start3A_210 = arith.constant 0 : i32
    %dma_start3A_211 = tpu.memref_slice %arg6[%dma_start3A_197, %dma_start3A_209, %dma_start3A_210] : memref<5x128x128xf32, #tpu.memory_space<vmem>> -> memref<1x128x128xf32, #tpu.memory_space<vmem>>
    %dma_start3A_212 = tpu.memref_squeeze %dma_start3A_211 : memref<1x128x128xf32, #tpu.memory_space<vmem>> -> memref<128x128xf32, #tpu.memory_space<vmem>>
    tpu.enqueue_dma source(%dma_start3A_212 : memref<128x128xf32, #tpu.memory_space<vmem>>) target(%dma_start3A_208 : memref<128x128xf32, #tpu.memory_space<hbm>>) target_semaphore(%dma_start3A_206 : memref<!tpu.dma_semaphore, #tpu.memory_space<semaphore_mem>>)
    %dma_wait3A_213 = arith.constant 0 : i32
    %dma_wait3A_214 = arith.constant 4 : i32
    %dma_wait3A_215 = arith.constant 4 : i32
    %dma_wait3A_216 = arith.constant 0 : i32
    %dma_wait3A_217 = arith.constant 0 : i32
    %dma_wait3A_218 = tpu.memref_slice %arg6[%dma_wait3A_214, %dma_wait3A_216, %dma_wait3A_217] : memref<5x128x128xf32, #tpu.memory_space<vmem>> -> memref<1x128x128xf32, #tpu.memory_space<vmem>>
    %dma_wait3A_219 = tpu.memref_squeeze %dma_wait3A_218 : memref<1x128x128xf32, #tpu.memory_space<vmem>> -> memref<128x128xf32, #tpu.memory_space<vmem>>
    %dma_wait3A_220 = arith.constant 0 : i32
    %dma_wait3A_221 = tpu.memref_slice %arg5[%dma_wait3A_213, %dma_wait3A_220] : memref<200x128xi32, #tpu.memory_space<vmem>> -> memref<1x128xi32, #tpu.memory_space<vmem>>
    %dma_wait3A_222 = tpu.memref_squeeze %dma_wait3A_221 : memref<1x128xi32, #tpu.memory_space<vmem>> -> memref<128xi32, #tpu.memory_space<vmem>>
    %dma_wait3A_223 = arith.constant 0 : i32
    %dma_wait3A_224 = arith.constant 0 : i32
    %dma_wait3A_225 = tpu.memref_slice %arg2[%dma_wait3A_223, %dma_wait3A_224] : memref<1000000x128xf32, #tpu.memory_space<hbm>> -> memref<1000000x128xf32, #tpu.memory_space<hbm>>
    %dma_wait3A_226 = tpu.memref_slice %arg7[%dma_wait3A_215] : memref<5x!tpu.dma_semaphore, #tpu.memory_space<semaphore_mem>> -> memref<1x!tpu.dma_semaphore, #tpu.memory_space<semaphore_mem>>
    %dma_wait3A_227 = tpu.memref_squeeze %dma_wait3A_226 : memref<1x!tpu.dma_semaphore, #tpu.memory_space<semaphore_mem>> -> memref<!tpu.dma_semaphore, #tpu.memory_space<semaphore_mem>>
    tpu.wait_indirect_dma semaphore(%dma_wait3A_227 : memref<!tpu.dma_semaphore, #tpu.memory_space<semaphore_mem>>) src(%dma_wait3A_225 : memref<1000000x128xf32, #tpu.memory_space<hbm>>) dst(%dma_wait3A_219 : memref<128x128xf32, #tpu.memory_space<vmem>>)
    %add3A_228 = arith.constant 25472 : i32
    %add3A_229 = arith.addi %mul3A_2, %add3A_228 : i32
    %dma_start3A_230 = arith.constant 4 : i32
    %dma_start3A_231 = arith.constant 4 : i32
    %dma_start3A_232 = arith.constant 0 : i32
    %dma_start3A_233 = arith.constant 0 : i32
    %dma_start3A_234 = tpu.memref_slice %arg6[%dma_start3A_230, %dma_start3A_232, %dma_start3A_233] : memref<5x128x128xf32, #tpu.memory_space<vmem>> -> memref<1x128x128xf32, #tpu.memory_space<vmem>>
    %dma_start3A_235 = tpu.memref_squeeze %dma_start3A_234 : memref<1x128x128xf32, #tpu.memory_space<vmem>> -> memref<128x128xf32, #tpu.memory_space<vmem>>
    %dma_start3A_236 = arith.constant 0 : i32
    %dma_start3A_237 = tpu.memref_slice %arg4[%add3A_229, %dma_start3A_236] : memref<819200x128xf32, #tpu.memory_space<hbm>> -> memref<128x128xf32, #tpu.memory_space<hbm>>
    %dma_start3A_238 = tpu.memref_slice %arg8[%dma_start3A_231] : memref<5x!tpu.dma_semaphore, #tpu.memory_space<semaphore_mem>> -> memref<1x!tpu.dma_semaphore, #tpu.memory_space<semaphore_mem>>
    %dma_start3A_239 = tpu.memref_squeeze %dma_start3A_238 : memref<1x!tpu.dma_semaphore, #tpu.memory_space<semaphore_mem>> -> memref<!tpu.dma_semaphore, #tpu.memory_space<semaphore_mem>>
    %dma_start3A_240 = arith.constant 0 : i32
    %dma_start3A_241 = tpu.memref_slice %arg4[%add3A_229, %dma_start3A_240] : memref<819200x128xf32, #tpu.memory_space<hbm>> -> memref<128x128xf32, #tpu.memory_space<hbm>>
    %dma_start3A_242 = arith.constant 0 : i32
    %dma_start3A_243 = arith.constant 0 : i32
    %dma_start3A_244 = tpu.memref_slice %arg6[%dma_start3A_230, %dma_start3A_242, %dma_start3A_243] : memref<5x128x128xf32, #tpu.memory_space<vmem>> -> memref<1x128x128xf32, #tpu.memory_space<vmem>>
    %dma_start3A_245 = tpu.memref_squeeze %dma_start3A_244 : memref<1x128x128xf32, #tpu.memory_space<vmem>> -> memref<128x128xf32, #tpu.memory_space<vmem>>
    tpu.enqueue_dma source(%dma_start3A_245 : memref<128x128xf32, #tpu.memory_space<vmem>>) target(%dma_start3A_241 : memref<128x128xf32, #tpu.memory_space<hbm>>) target_semaphore(%dma_start3A_239 : memref<!tpu.dma_semaphore, #tpu.memory_space<semaphore_mem>>)
    %dma_wait3A_246 = arith.constant 0 : i32
    %dma_wait3A_247 = arith.constant 0 : i32
    %dma_wait3A_248 = arith.constant 0 : i32
    %dma_wait3A_249 = arith.constant 0 : i32
    %dma_wait3A_250 = tpu.memref_slice %arg6[%dma_wait3A_246, %dma_wait3A_248, %dma_wait3A_249] : memref<5x128x128xf32, #tpu.memory_space<vmem>> -> memref<1x128x128xf32, #tpu.memory_space<vmem>>
    %dma_wait3A_251 = tpu.memref_squeeze %dma_wait3A_250 : memref<1x128x128xf32, #tpu.memory_space<vmem>> -> memref<128x128xf32, #tpu.memory_space<vmem>>
    %dma_wait3A_252 = arith.constant 0 : i32
    %dma_wait3A_253 = tpu.memref_slice %arg4[%mul3A_2, %dma_wait3A_252] : memref<819200x128xf32, #tpu.memory_space<hbm>> -> memref<128x128xf32, #tpu.memory_space<hbm>>
    %dma_wait3A_254 = tpu.memref_slice %arg8[%dma_wait3A_247] : memref<5x!tpu.dma_semaphore, #tpu.memory_space<semaphore_mem>> -> memref<1x!tpu.dma_semaphore, #tpu.memory_space<semaphore_mem>>
    %dma_wait3A_255 = tpu.memref_squeeze %dma_wait3A_254 : memref<1x!tpu.dma_semaphore, #tpu.memory_space<semaphore_mem>> -> memref<!tpu.dma_semaphore, #tpu.memory_space<semaphore_mem>>
    %dma_wait3A_256 = arith.constant 0 : i32
    %dma_wait3A_257 = tpu.memref_slice %arg4[%mul3A_2, %dma_wait3A_256] : memref<819200x128xf32, #tpu.memory_space<hbm>> -> memref<128x128xf32, #tpu.memory_space<hbm>>
    %dma_wait3A_258 = arith.constant 0 : i32
    %dma_wait3A_259 = arith.constant 0 : i32
    %dma_wait3A_260 = tpu.memref_slice %arg6[%dma_wait3A_246, %dma_wait3A_258, %dma_wait3A_259] : memref<5x128x128xf32, #tpu.memory_space<vmem>> -> memref<1x128x128xf32, #tpu.memory_space<vmem>>
    %dma_wait3A_261 = tpu.memref_squeeze %dma_wait3A_260 : memref<1x128x128xf32, #tpu.memory_space<vmem>> -> memref<128x128xf32, #tpu.memory_space<vmem>>
    tpu.wait_dma2 semaphore(%dma_wait3A_255 : memref<!tpu.dma_semaphore, #tpu.memory_space<semaphore_mem>>) src(%dma_wait3A_261 : memref<128x128xf32, #tpu.memory_space<vmem>>) dst(%dma_wait3A_257 : memref<128x128xf32, #tpu.memory_space<hbm>>)
    %dma_wait3A_262 = arith.constant 1 : i32
    %dma_wait3A_263 = arith.constant 1 : i32
    %dma_wait3A_264 = arith.constant 0 : i32
    %dma_wait3A_265 = arith.constant 0 : i32
    %dma_wait3A_266 = tpu.memref_slice %arg6[%dma_wait3A_262, %dma_wait3A_264, %dma_wait3A_265] : memref<5x128x128xf32, #tpu.memory_space<vmem>> -> memref<1x128x128xf32, #tpu.memory_space<vmem>>
    %dma_wait3A_267 = tpu.memref_squeeze %dma_wait3A_266 : memref<1x128x128xf32, #tpu.memory_space<vmem>> -> memref<128x128xf32, #tpu.memory_space<vmem>>
    %dma_wait3A_268 = arith.constant 0 : i32
    %dma_wait3A_269 = tpu.memref_slice %arg4[%mul3A_2, %dma_wait3A_268] : memref<819200x128xf32, #tpu.memory_space<hbm>> -> memref<128x128xf32, #tpu.memory_space<hbm>>
    %dma_wait3A_270 = tpu.memref_slice %arg8[%dma_wait3A_263] : memref<5x!tpu.dma_semaphore, #tpu.memory_space<semaphore_mem>> -> memref<1x!tpu.dma_semaphore, #tpu.memory_space<semaphore_mem>>
    %dma_wait3A_271 = tpu.memref_squeeze %dma_wait3A_270 : memref<1x!tpu.dma_semaphore, #tpu.memory_space<semaphore_mem>> -> memref<!tpu.dma_semaphore, #tpu.memory_space<semaphore_mem>>
    %dma_wait3A_272 = arith.constant 0 : i32
    %dma_wait3A_273 = tpu.memref_slice %arg4[%mul3A_2, %dma_wait3A_272] : memref<819200x128xf32, #tpu.memory_space<hbm>> -> memref<128x128xf32, #tpu.memory_space<hbm>>
    %dma_wait3A_274 = arith.constant 0 : i32
    %dma_wait3A_275 = arith.constant 0 : i32
    %dma_wait3A_276 = tpu.memref_slice %arg6[%dma_wait3A_262, %dma_wait3A_274, %dma_wait3A_275] : memref<5x128x128xf32, #tpu.memory_space<vmem>> -> memref<1x128x128xf32, #tpu.memory_space<vmem>>
    %dma_wait3A_277 = tpu.memref_squeeze %dma_wait3A_276 : memref<1x128x128xf32, #tpu.memory_space<vmem>> -> memref<128x128xf32, #tpu.memory_space<vmem>>
    tpu.wait_dma2 semaphore(%dma_wait3A_271 : memref<!tpu.dma_semaphore, #tpu.memory_space<semaphore_mem>>) src(%dma_wait3A_277 : memref<128x128xf32, #tpu.memory_space<vmem>>) dst(%dma_wait3A_273 : memref<128x128xf32, #tpu.memory_space<hbm>>)
    %dma_wait3A_278 = arith.constant 2 : i32
    %dma_wait3A_279 = arith.constant 2 : i32
    %dma_wait3A_280 = arith.constant 0 : i32
    %dma_wait3A_281 = arith.constant 0 : i32
    %dma_wait3A_282 = tpu.memref_slice %arg6[%dma_wait3A_278, %dma_wait3A_280, %dma_wait3A_281] : memref<5x128x128xf32, #tpu.memory_space<vmem>> -> memref<1x128x128xf32, #tpu.memory_space<vmem>>
    %dma_wait3A_283 = tpu.memref_squeeze %dma_wait3A_282 : memref<1x128x128xf32, #tpu.memory_space<vmem>> -> memref<128x128xf32, #tpu.memory_space<vmem>>
    %dma_wait3A_284 = arith.constant 0 : i32
    %dma_wait3A_285 = tpu.memref_slice %arg4[%mul3A_2, %dma_wait3A_284] : memref<819200x128xf32, #tpu.memory_space<hbm>> -> memref<128x128xf32, #tpu.memory_space<hbm>>
    %dma_wait3A_286 = tpu.memref_slice %arg8[%dma_wait3A_279] : memref<5x!tpu.dma_semaphore, #tpu.memory_space<semaphore_mem>> -> memref<1x!tpu.dma_semaphore, #tpu.memory_space<semaphore_mem>>
    %dma_wait3A_287 = tpu.memref_squeeze %dma_wait3A_286 : memref<1x!tpu.dma_semaphore, #tpu.memory_space<semaphore_mem>> -> memref<!tpu.dma_semaphore, #tpu.memory_space<semaphore_mem>>
    %dma_wait3A_288 = arith.constant 0 : i32
    %dma_wait3A_289 = tpu.memref_slice %arg4[%mul3A_2, %dma_wait3A_288] : memref<819200x128xf32, #tpu.memory_space<hbm>> -> memref<128x128xf32, #tpu.memory_space<hbm>>
    %dma_wait3A_290 = arith.constant 0 : i32
    %dma_wait3A_291 = arith.constant 0 : i32
    %dma_wait3A_292 = tpu.memref_slice %arg6[%dma_wait3A_278, %dma_wait3A_290, %dma_wait3A_291] : memref<5x128x128xf32, #tpu.memory_space<vmem>> -> memref<1x128x128xf32, #tpu.memory_space<vmem>>
    %dma_wait3A_293 = tpu.memref_squeeze %dma_wait3A_292 : memref<1x128x128xf32, #tpu.memory_space<vmem>> -> memref<128x128xf32, #tpu.memory_space<vmem>>
    tpu.wait_dma2 semaphore(%dma_wait3A_287 : memref<!tpu.dma_semaphore, #tpu.memory_space<semaphore_mem>>) src(%dma_wait3A_293 : memref<128x128xf32, #tpu.memory_space<vmem>>) dst(%dma_wait3A_289 : memref<128x128xf32, #tpu.memory_space<hbm>>)
    %dma_wait3A_294 = arith.constant 3 : i32
    %dma_wait3A_295 = arith.constant 3 : i32
    %dma_wait3A_296 = arith.constant 0 : i32
    %dma_wait3A_297 = arith.constant 0 : i32
    %dma_wait3A_298 = tpu.memref_slice %arg6[%dma_wait3A_294, %dma_wait3A_296, %dma_wait3A_297] : memref<5x128x128xf32, #tpu.memory_space<vmem>> -> memref<1x128x128xf32, #tpu.memory_space<vmem>>
    %dma_wait3A_299 = tpu.memref_squeeze %dma_wait3A_298 : memref<1x128x128xf32, #tpu.memory_space<vmem>> -> memref<128x128xf32, #tpu.memory_space<vmem>>
    %dma_wait3A_300 = arith.constant 0 : i32
    %dma_wait3A_301 = tpu.memref_slice %arg4[%mul3A_2, %dma_wait3A_300] : memref<819200x128xf32, #tpu.memory_space<hbm>> -> memref<128x128xf32, #tpu.memory_space<hbm>>
    %dma_wait3A_302 = tpu.memref_slice %arg8[%dma_wait3A_295] : memref<5x!tpu.dma_semaphore, #tpu.memory_space<semaphore_mem>> -> memref<1x!tpu.dma_semaphore, #tpu.memory_space<semaphore_mem>>
    %dma_wait3A_303 = tpu.memref_squeeze %dma_wait3A_302 : memref<1x!tpu.dma_semaphore, #tpu.memory_space<semaphore_mem>> -> memref<!tpu.dma_semaphore, #tpu.memory_space<semaphore_mem>>
    %dma_wait3A_304 = arith.constant 0 : i32
    %dma_wait3A_305 = tpu.memref_slice %arg4[%mul3A_2, %dma_wait3A_304] : memref<819200x128xf32, #tpu.memory_space<hbm>> -> memref<128x128xf32, #tpu.memory_space<hbm>>
    %dma_wait3A_306 = arith.constant 0 : i32
    %dma_wait3A_307 = arith.constant 0 : i32
    %dma_wait3A_308 = tpu.memref_slice %arg6[%dma_wait3A_294, %dma_wait3A_306, %dma_wait3A_307] : memref<5x128x128xf32, #tpu.memory_space<vmem>> -> memref<1x128x128xf32, #tpu.memory_space<vmem>>
    %dma_wait3A_309 = tpu.memref_squeeze %dma_wait3A_308 : memref<1x128x128xf32, #tpu.memory_space<vmem>> -> memref<128x128xf32, #tpu.memory_space<vmem>>
    tpu.wait_dma2 semaphore(%dma_wait3A_303 : memref<!tpu.dma_semaphore, #tpu.memory_space<semaphore_mem>>) src(%dma_wait3A_309 : memref<128x128xf32, #tpu.memory_space<vmem>>) dst(%dma_wait3A_305 : memref<128x128xf32, #tpu.memory_space<hbm>>)
    %dma_wait3A_310 = arith.constant 4 : i32
    %dma_wait3A_311 = arith.constant 4 : i32
    %dma_wait3A_312 = arith.constant 0 : i32
    %dma_wait3A_313 = arith.constant 0 : i32
    %dma_wait3A_314 = tpu.memref_slice %arg6[%dma_wait3A_310, %dma_wait3A_312, %dma_wait3A_313] : memref<5x128x128xf32, #tpu.memory_space<vmem>> -> memref<1x128x128xf32, #tpu.memory_space<vmem>>
    %dma_wait3A_315 = tpu.memref_squeeze %dma_wait3A_314 : memref<1x128x128xf32, #tpu.memory_space<vmem>> -> memref<128x128xf32, #tpu.memory_space<vmem>>
    %dma_wait3A_316 = arith.constant 0 : i32
    %dma_wait3A_317 = tpu.memref_slice %arg4[%mul3A_2, %dma_wait3A_316] : memref<819200x128xf32, #tpu.memory_space<hbm>> -> memref<128x128xf32, #tpu.memory_space<hbm>>
    %dma_wait3A_318 = tpu.memref_slice %arg8[%dma_wait3A_311] : memref<5x!tpu.dma_semaphore, #tpu.memory_space<semaphore_mem>> -> memref<1x!tpu.dma_semaphore, #tpu.memory_space<semaphore_mem>>
    %dma_wait3A_319 = tpu.memref_squeeze %dma_wait3A_318 : memref<1x!tpu.dma_semaphore, #tpu.memory_space<semaphore_mem>> -> memref<!tpu.dma_semaphore, #tpu.memory_space<semaphore_mem>>
    %dma_wait3A_320 = arith.constant 0 : i32
    %dma_wait3A_321 = tpu.memref_slice %arg4[%mul3A_2, %dma_wait3A_320] : memref<819200x128xf32, #tpu.memory_space<hbm>> -> memref<128x128xf32, #tpu.memory_space<hbm>>
    %dma_wait3A_322 = arith.constant 0 : i32
    %dma_wait3A_323 = arith.constant 0 : i32
    %dma_wait3A_324 = tpu.memref_slice %arg6[%dma_wait3A_310, %dma_wait3A_322, %dma_wait3A_323] : memref<5x128x128xf32, #tpu.memory_space<vmem>> -> memref<1x128x128xf32, #tpu.memory_space<vmem>>
    %dma_wait3A_325 = tpu.memref_squeeze %dma_wait3A_324 : memref<1x128x128xf32, #tpu.memory_space<vmem>> -> memref<128x128xf32, #tpu.memory_space<vmem>>
    tpu.wait_dma2 semaphore(%dma_wait3A_319 : memref<!tpu.dma_semaphore, #tpu.memory_space<semaphore_mem>>) src(%dma_wait3A_325 : memref<128x128xf32, #tpu.memory_space<vmem>>) dst(%dma_wait3A_321 : memref<128x128xf32, #tpu.memory_space<hbm>>)
    return
  }
}

</mosaic_0001>

<sc_bundles>
// kernel: _lookup.3.cloned.1.call-start
scs
__scs_entry_jumppad:
0x0: {  	(pc) =	sbr.rel $0x88, $3  }
0x1: {  	(tag) =	ssettag $0x0;
	lr =	simm.s32 $0x1  }
0x2: {  	[smem:$0x3F9F] =	sst lr;
	_ =	strace $0xD0000000  }
0x3: {  	_ = 	snop  }
0x4: {  	_ = 	snop  }
0x5: {  	_ = 	snop  }
0x6: {  	_ = 	snop  }
0x7: {  	_ = 	snop  }
__scs_overlays_trampoline_lowered:
0x8: {  	[smem:$0x3FAE] =	sst s0  }
0x9: {  	[smem:$0x3FAF] =	sst s1  }
0xa: {  	[smem:$0x3FB0] =	sst s2  }
0xb: {  	[smem:$0x3FB1] =	sst s3  }
0xc: {  	[smem:$0x3FB2] =	sst s4  }
0xd: {  	[smem:$0x3FB3] =	sst s5  }
0xe: {  	[smem:$0x3FB4] =	sst s6  }
0xf: {  	[smem:$0x3FB5] =	sst s7  }
0x10: {  	[smem:$0x3FB6] =	sst s8  }
0x11: {  	[smem:$0x3FB7] =	sst s9;
	s0 =	simm.s32 @!p0 $0x0  }
0x12: {  	s1 =	sld [smem:$0x3F9D];
	s0 =	simm.s32 @p0 $0x1  }
0x13: {  	[smem:$0x3FB8] =	sst s0;
	s0 =	simm.s32 @!p1 $0x0  }
0x14: {  	s2 =	sld [smem:$0x3F9C];
	s0 =	simm.s32 @p1 $0x1  }
0x15: {  	[smem:$0x3FB9] =	sst s0;
	s0 =	simm.s32 @!p2 $0x0  }
0x16: {  	s3 =	sld [smem:$0x3FDB];
	s0 =	simm.s32 @p2 $0x1  }
0x17: {  	s4 =	simm.s32 $0x1BF5;
	[smem:$0x3FBB] =	sst s0  }
0x18: {  	s0 =	sld [smem:$0x3F9E];
	_ =	swait.ge [sflag:s4], $0x0  }
0x19: {  	s7 =	sld [smem:$0x3F9F]  }
0x1a: {  	s8 =	sadd.s32 $0xFFFFE003, lr  }
0x1b: {  	s9 =	sadd.s32 $0xFFFFFEF7, lr;
	s5 =	simm.s32 $0xFFFFFFFF;
	p2 =	slt.u32 s8, $0xFFFFF086  }
0x1c: {  	p1 =	slt.u32 s9, $0xF7A;
	s5 =	simm.s32 @!p2 $0x0  }
0x1d: {  	s5 =	simm.s32 @p1 $0x1;
	p0 =	seq.s32 s7, s2  }
0x1e: {  	s7 =	smul.u32 @!p0 $0xF7A, s2;
	p2 =	seq.s32 @!p0 s5, $0x0  }
0x1f: {  	s9 =	smul.u32 $0xF7A, s1;
	s8 =	simm.s32 @!p0 $0x1BF5;
	p2 =	por !p2, p0  }
0x20: {  	[sflag:s8] =	ssyncset.s32 @!p0 $0xFFFFF086;
	s6 =	sadd.s32 @!p0 s3, s7;
	s7 =	simm.s32 @!p0 $0x108  }
0x21: {  	s3 =	sadd.s32 s3, s9;
	s6 =	sadd.s32 @!p0 $0x88, s6;
	s7 =	simm.s32 @p2 $0x1082  }
0x22: {  	[simem:s7], [sflag:s8] =	dma.local @!p0 [hbm:s6], $0xF7A  }
0x23: {  	s9 =	sor.u32 $0xD0000000, s2;
	s6 =	simm.s32 $0x108;
	_ =	swait.ge @!p0 [sflag:s8], $0x0  }
0x24: {  	s3 =	sadd.s32 $0x88, s3;
	s6 =	simm.s32 @!p1 $0x1082;
	[sflag:s4] =	ssyncset.s32 $0xFFFFF086  }
0x25: {  	[simem:s6], [sflag:s4] =	dma.local [hbm:s3], $0xF7A  }
0x26: {  	[smem:$0x3F9F] =	sst s1;
	(tag) =	ssettag s2;
	_ =	strace s9  }
0x27: {  	s1 =	sld [smem:$0x3FAF]  }
0x28: {  	s2 =	sld [smem:$0x3FB0]  }
0x29: {  	s4 =	sld [smem:$0x3FB2]  }
0x2a: {  	p0 =	seq.s32 s5, $0x0;
	s5 =	sld [smem:$0x3FB3]  }
0x2b: {  	s6 =	sld [smem:$0x3FB4]  }
0x2c: {  	s7 =	sld [smem:$0x3FB5]  }
0x2d: {  	s3 =	simm.s32 $0x108;
	s8 =	sld [smem:$0x3FB6]  }
0x2e: {  	s3 =	simm.s32 @!p0 $0x1082;
	s9 =	sld [smem:$0x3FB7]  }
0x2f: {  	lr =	sadd.s32 s0, s3;
	s0 =	sld [smem:$0x3FAE]  }
0x30: {  	s3 =	sld [smem:$0x3FB1]  }
0x31: {  	[smem:$0x3FBA] =	sst s10  }
0x32: {  	s10 =	sld [smem:$0x3FB8];
	_ =	sdelay $0x3  }
0x33: {  	p0 =	seq.s32 s10, $0x1;
	s10 =	sld [smem:$0x3FBA];
	_ =	sdelay $0x3  }
0x34: {  	[smem:$0x3FBA] =	sst s10  }
0x35: {  	s10 =	sld [smem:$0x3FB9];
	_ =	sdelay $0x3  }
0x36: {  	p1 =	seq.s32 s10, $0x1;
	s10 =	sld [smem:$0x3FBA];
	_ =	sdelay $0x3  }
0x37: {  	[smem:$0x3FBA] =	sst s10  }
0x38: {  	s10 =	sld [smem:$0x3FBB]  }
0x39: {  	_ = 	snop;
	(pc) =	sbr.ind lr, $3  }
0x3a: {  	_ = 	snop  }
0x3b: {  	_ = 	snop  }
0x3c: {  	p2 =	seq.s32 s10, $0x1;
	s10 =	sld [smem:$0x3FBA]  }
0x3d: {  	_ =	shalt  }
0x3e: {  	_ =	shalt  }
0x3f: {  	_ =	shalt  }
0x40: {  	_ =	shalt  }
0x41: {  	_ =	shalt  }
0x42: {  	_ =	shalt  }
0x43: {  	_ =	shalt  }
0x44: {  	_ =	shalt  }
0x45: {  	_ =	shalt  }
0x46: {  	_ =	shalt  }
0x47: {  	_ =	shalt  }
0x48: {  	_ =	shalt  }
0x49: {  	_ =	shalt  }
0x4a: {  	_ =	shalt  }
0x4b: {  	_ =	shalt  }
0x4c: {  	_ =	shalt  }
0x4d: {  	_ =	shalt  }
0x4e: {  	_ =	shalt  }
0x4f: {  	_ =	shalt  }
0x50: {  	_ =	shalt  }
0x51: {  	_ =	shalt  }
0x52: {  	_ =	shalt  }
0x53: {  	_ =	shalt  }
0x54: {  	_ =	shalt  }
0x55: {  	_ =	shalt  }
0x56: {  	_ =	shalt  }
0x57: {  	_ =	shalt  }
0x58: {  	_ =	shalt  }
0x59: {  	_ =	shalt  }
0x5a: {  	_ =	shalt  }
0x5b: {  	_ =	shalt  }
0x5c: {  	_ =	shalt  }
0x5d: {  	_ =	shalt  }
0x5e: {  	_ =	shalt  }
0x5f: {  	_ =	shalt  }
0x60: {  	_ =	shalt  }
0x61: {  	_ =	shalt  }
0x62: {  	_ =	shalt  }
0x63: {  	_ =	shalt  }
0x64: {  	_ =	shalt  }
0x65: {  	_ =	shalt  }
0x66: {  	_ =	shalt  }
0x67: {  	_ =	shalt  }
0x68: {  	_ =	shalt  }
0x69: {  	_ =	shalt  }
0x6a: {  	_ =	shalt  }
0x6b: {  	_ =	shalt  }
0x6c: {  	_ =	shalt  }
0x6d: {  	_ =	shalt  }
0x6e: {  	_ =	shalt  }
0x6f: {  	_ =	shalt  }
0x70: {  	_ =	shalt  }
0x71: {  	_ =	shalt  }
0x72: {  	_ =	shalt  }
0x73: {  	_ =	shalt  }
0x74: {  	_ =	shalt  }
0x75: {  	_ =	shalt  }
0x76: {  	_ =	shalt  }
0x77: {  	_ =	shalt  }
0x78: {  	_ =	shalt  }
0x79: {  	_ =	shalt  }
0x7a: {  	_ =	shalt  }
0x7b: {  	_ =	shalt  }
0x7c: {  	_ =	shalt  }
0x7d: {  	_ =	shalt  }
0x7e: {  	_ =	shalt  }
0x7f: {  	_ =	shalt  }
0x80: {  	_ =	shalt  }
0x81: {  	_ =	shalt  }
0x82: {  	_ =	shalt  }
0x83: {  	_ =	shalt  }
0x84: {  	_ =	shalt  }
0x85: {  	_ =	shalt  }
0x86: {  	_ =	shalt  }
0x87: {  	_ =	shalt  }
.Lfunc_end0:
.L_simem_size_0:
called_computation_lowered:
.L_overlay_start_0:
0x88: {  	s2 =	sld [smem:$0x3FD9]  }
0x89: {  	s3 =	sld [smem:$0x3FFE];
	_ =	sdelay $0x1  }
0x8a: {  	s1 =	srdreg.scid  }
0x8b: {  	s0 =	sand.u32 $0x1, s1  }
0x8c: {  	s18 =	sshll.u32 s0, $0xA;
	s2 =	sadd.s32 s3, s2  }
0x8d: {  	s2 =	sadd.s32 s2, s18  }
0x8e: {  	[smem:$0x3FC6] =	sst s2  }
0x8f: {  	_ = 	snop  }
0x90: {  	s2 =	sld [smem:$0x3FC9]  }
0x91: {  	s19 =	sld [smem:$0x3FC8]  }
0x92: {  	s4 =	sld [smem:$0x3FD0];
	(tm) =	ssettm $0x1  }
0x93: {  	s5 =	sld [smem:$0x3FFB];
	_ =	sdelay $0x3  }
0x94: {  	_ =	strace s5  }
0x95: {  	s5 =	sld [smem:$0x3FFC];
	_ =	sdelay $0x3  }
0x96: {  	_ =	strace s5  }
0x97: {  	s5 =	sld [smem:$0x3FFD];
	_ =	sdelay $0x3  }
0x98: {  	_ =	strace s5  }
0x99: {  	_ =	strace $0x8FFFFFFF  }
0x9a: {  	s20 =	sld [smem:$0x3FDB];
	_ =	sdelay $0x1  }
0x9b: {  	s6 =	simm.s32 $_scs_section_size  }
0x9c: {  	s7 =	simm.s32 $_size__tile_overlayer_lowered;
	s8 =	simm.s32 $_tile_overlayer_lowered  }
0x9d: {  	s23 =	simm.s32 $0x1BFF;
	s22 =	sshll.u32 s8, $0x1;
	s5 =	sadd.s32 s6, s20  }
0x9e: {  	s9 =	simm.s32 $0x0;
	s21 =	sshll.u32 s7, $0x1;
	s7 =	sadd.s32 s22, s5  }
0x9f: {  	[timem:s9], [sflag:s23] =	dma.local [hbm:s7], s21  }
0xa0: {  	_ =	swait.ge [sflag:s23], s21  }
0xa1: {  	s6 =	ssub.s32 $0x0, s21;
	[sflag:s23] =	ssyncset.done $0x0  }
0xa2: {  	[sflag:s23] =	ssyncadd.s32 s6;
	_ =	sdelay $0x1  }
0xa3: {  	s24 =	simm.s32 $0x1B8B  }
0xa4: {  	_ =	swait.ge [sflag:s24], $0x1  }
0xa5: {  	[sflag:s24] =	ssyncset.done $0x0  }
0xa6: {  	s25 =	simm.s32 $0x1B8E;
	[sflag:s24] =	ssyncadd.s32 $0xFFFFFFFF  }
0xa7: {  	s26 =	simm.s32 $execute0_lowered;
	[smem:$0x3FD2] =	sst s25  }
0xa8: {  	s6 =	sshll.u32 s26, $0x1;
	_ =	strace $0x80000046;
	[dreg:$0x1] =	wrdreg $0xFFFFFFFF  }
0xa9: {  	s28 =	simm.s32 $_size_execute0_lowered;
	s5 =	sadd.s32 s5, s6;
	[dreg:$0x0] =	wrdreg $0x0  }
0xaa: {  	s6 =	sshll.u32 s28, $0x1;
	[dreg:$0x2] =	wrdreg s5  }
0xab: {  	[dreg:$0x3] =	wrdreg s6  }
0xac: {  	[dreg:$0x4] =	wrdreg $0xC0  }
0xad: {  	_ =	task [dreg:s9], $0x5FFFF  }
0xae: {  	[dreg:$0x1] =	wrdreg $0xFFFFFFFF  }
0xaf: {  	[dreg:$0x0] =	wrdreg $0x60  }
0xb0: {  	[dreg:$0x2] =	wrdreg s2  }
0xb1: {  	[dreg:$0x3] =	wrdreg s19  }
0xb2: {  	[dreg:$0x4] =	wrdreg s4  }
0xb3: {  	[dreg:$0x5] =	wrdreg $0x9  }
0xb4: {  	_ =	task.clear_ibuf [dreg:s9], $0x6FFFF;
	_ =	strace $0x90000046  }
0xb5: {  	s29 =	simm.s32 $0x9;
	_ =	strace $0x80000048  }
0xb6: {  	_ =	swait.ge [sflag:s29], $0x1  }
0xb7: {  	[sflag:s29] =	ssyncadd.s32 $0xFFFFFFFF  }
0xb8: {  	_ =	strace $0x90000048  }
0xb9: {  	_ =	sfence  }
0xba: {  	s30 =	sld [smem:$0x0];
	_ =	sdelay $0x2  }
0xbb: {  	s31 =	sshll.u32 s1, $0xD;
	s1 =	sshrl.u32 s1, $0x2  }
0xbc: {  	s3 =	sand.u32 $0x4000, s31;
	s1 =	sadd.s32 s1, s30  }
0xbd: {  	s0 =	sor.u32 s3, s0;
	s1 =	sshll.u32 s1, $0x11  }
0xbe: {  	s0 =	sor.u32 s1, s0  }
0xbf: {  	s0 =	sadd.s32 $0x8F2B, s0  }
0xc0: {  	[sflag:s0] =	ssyncadd.remote.s32 $0x1  }
0xc1: {  	_ =	sfence.sel $0xFFFF  }
0xc2: {  	[dreg:$0x0] =	wrdreg $0xFFFFFFFF;
	(pc) =	sbr.abs _section_cstart, $3  }
0xc3: {  	[dreg:$0x1] =	wrdreg $0xFFFFFFFF  }
0xc4: {  	_ =	task.clear_ibuf [dreg:s9], $0x2FFFF;
	_ =	strace $0x9FFFFFFF  }
0xc5: {  	(tm) =	ssettm $0x7FFFFFFF  }
tec
execute0_lowered:
.L_overlay_start_1:
0x0: {  	(tag) =	ssettag $0x1  }
0x1: {  	s1 =	rddreg [dreg:$0x0]  }
0x2: {  	s0 =	rddreg [dreg:$0x1];
	s2 =	srdreg.scid  }
0x3: {  	s12 =	stileid.u32;
	s7 =	rddreg [dreg:$0x2]  }
0x4: {  	s3 =	simm.s32 $0x0;
	s13 =	simm.s32 $0x6400;
	s14 =	simm.s32 $0xA400  }
0x5: {  	s16 =	simm.s32 $0xE400;
	s18 =	simm.s32 $0x12400;
	s19 =	simm.s32 $0x1  }
0x6: {  	s21 =	simm.s32 $0x16400;
	s22 =	simm.s32 $0x2;
	s23 =	simm.s32 $0x6  }
0x7: {  	s28 =	simm.s32 $0x8;
	s29 =	simm.s32 $0x5;
	s30 =	simm.s32 $0x9  }
0x8: {  	s2 =	sand.u32 $0x1, s2;
	s4 =	sshll.u32 s12, $0x1;
	s24 =	smul.u32 $0xC8000, s12  }
0x9: {  	s4 =	sor.u32 s2, s4;
	s6 =	ssub.s32 $0x2, s2;
	s2 =	smul.u32 $0x64000, s2  }
0xa: {  	s31 =	simm.s32 $0xA;
	[smem:$0x7FF] =	sst s3;
	s5 =	smul.u32 $0x6400, s4  }
0xb: {  	s12 =	simm.s32 $0x80;
	s9 =	sshrl.u32 s6, $0x1;
	s10 =	smul.u32 $0x320000, s4  }
0xc: {  	_ =	strace $0x80000047;
	s8 =	smul.u32 $0x64000, s4;
	s11 =	ssub.s32 s6, s9  }
0xd: {  	s5 =	sshrl.u32 s5, $0x3;
	s25 =	sshrl.u32 s10, $0x3;
	s10 =	smax.u32 s11, $0x1  }
0xe: {  	s11 =	simm.s32 $0xB;
	s4 =	sadd.s32 s0, s5;
	s5 =	sadd.s32 s7, s8  }
0xf: {  	s26 =	sadd.s32 s7, s25;
	s0 =	sadd.s32 s24, s7;
	s24 =	simm.s32 $0x3  }
0x10: {  	s25 =	simm.s32 $0x7;
	s6 =	sadd.s32 $0x800, s5;
	s7 =	sadd.s32 $0x62800, s26  }
0x11: {  	s8 =	sadd.s32 $0x63000, s26;
	s0 =	sadd.s32 s2, s0;
	s9 =	sadd.s32 $0x63800, s26  }
0x12: {  	s26 =	simm.s32 $0x4;
	s2 =	simm.s32 $0x0;
	[dreg:$0x4] =	wrdreg s0  }
.LBB2_1:
0x13: {  	[tilespmem:s3], [sflag:$0xB] =	stream.linear.gather [hbm4b:s4+s3], $0x6400, $0x38;
	[tilespmem:$0x1A400] =	vst v63  }
0x14: {  	_ =	swait.ge [sflag:s11], $0x6400  }
0x15: {  	[sflag:s11] =	ssyncset.done $0x0  }
0x16: {  	[sflag:s11] =	ssyncadd.s32 $0xFFFF9C00  }
0x17: {  	[tilespmem:s13], [sflag:$0x1] =	stream.indirect.gather [hbm4b:s1+s12], $0x80, s3, s12, $0xb8;
	[tilespmem:$0x1A400] =	vst v63  }
0x18: {  	_ = 	snop  }
0x19: {  	[tilespmem:s14], [sflag:$0x2] =	stream.indirect.gather [hbm4b:s1+s12], $0x80, s12, s12, $0xb8;
	[tilespmem:$0x1A400] =	vst v63  }
0x1a: {  	s0 =	simm.s32 $0x100  }
0x1b: {  	[tilespmem:s16], [sflag:$0x3] =	stream.indirect.gather [hbm4b:s1+s12], $0x80, s0, s12, $0xb8;
	[tilespmem:$0x1A400] =	vst v63  }
0x1c: {  	s17 =	simm.s32 $0x180  }
0x1d: {  	[tilespmem:s18], [sflag:$0x4] =	stream.indirect.gather [hbm4b:s1+s12], $0x80, s17, s12, $0xb8;
	[tilespmem:$0x1A400] =	vst v63  }
0x1e: {  	_ =	swait.ge [sflag:s19], $0x4000  }
0x1f: {  	[sflag:s19] =	ssyncset.done $0x0  }
0x20: {  	[sflag:s19] =	ssyncadd.s32 $0xFFFFC000  }
0x21: {  	[hbm4b:s5+s3] =	stream.linear.scatter [tilespmem:s13], [sflag:$0x6], $0x4000, $0x38;
	[tilespmem:$0x1A400] =	vst v63  }
0x22: {  	s20 =	simm.s32 $0x200  }
0x23: {  	[tilespmem:s21], [sflag:$0x5] =	stream.indirect.gather [hbm4b:s1+s12], $0x80, s20, s12, $0xb8;
	[tilespmem:$0x1A400] =	vst v63  }
0x24: {  	_ =	swait.ge [sflag:s22], $0x4000  }
0x25: {  	[sflag:s22] =	ssyncset.done $0x0  }
0x26: {  	[sflag:s22] =	ssyncadd.s32 $0xFFFFC000  }
0x27: {  	[hbm4b:s6+s3] =	stream.linear.scatter [tilespmem:s14], [sflag:$0x7], $0x4000, $0x38;
	[tilespmem:$0x1A400] =	vst v63  }
0x28: {  	_ =	swait.ge [sflag:s23], $0x4000  }
0x29: {  	[sflag:s23] =	ssyncset.done $0x0  }
0x2a: {  	s15 =	simm.s32 $0x280;
	[sflag:s23] =	ssyncadd.s32 $0xFFFFC000  }
0x2b: {  	[tilespmem:s13], [sflag:$0x1] =	stream.indirect.gather [hbm4b:s1+s12], $0x80, s15, s12, $0xb8;
	[tilespmem:$0x1A400] =	vst v63  }
0x2c: {  	_ =	swait.ge [sflag:s24], $0x4000  }
0x2d: {  	s17 =	rddreg [dreg:$0x4]  }
0x2e: {  	[sflag:s24] =	ssyncset.done $0x0;
	s15 =	sadd.s32 $0x0, s17  }
0x2f: {  	[sflag:s24] =	ssyncadd.s32 $0xFFFFC000;
	s0 =	sadd.s32 $0x1000, s15  }
0x30: {  	[hbm4b:s0+s3] =	stream.linear.scatter [tilespmem:s16], [sflag:$0x8], $0x4000, $0x38;
	[tilespmem:$0x1A400] =	vst v63  }
0x31: {  	_ =	swait.ge [sflag:s25], $0x4000  }
0x32: {  	[sflag:s25] =	ssyncset.done $0x0  }
0x33: {  	s20 =	simm.s32 $0x300;
	[sflag:s25] =	ssyncadd.s32 $0xFFFFC000  }
0x34: {  	[tilespmem:s14], [sflag:$0x2] =	stream.indirect.gather [hbm4b:s1+s12], $0x80, s20, s12, $0xb8;
	[tilespmem:$0x1A400] =	vst v63  }
0x35: {  	_ =	swait.ge [sflag:s26], $0x4000  }
0x36: {  	[sflag:s26] =	ssyncset.done $0x0  }
0x37: {  	s17 =	sadd.s32 $0x1800, s15;
	[sflag:s26] =	ssyncadd.s32 $0xFFFFC000  }
0x38: {  	[hbm4b:s17+s3] =	stream.linear.scatter [tilespmem:s18], [sflag:$0x9], $0x4000, $0x38;
	[tilespmem:$0x1A400] =	vst v63  }
0x39: {  	_ =	swait.ge [sflag:s28], $0x4000  }
0x3a: {  	[sflag:s28] =	ssyncset.done $0x0  }
0x3b: {  	s20 =	simm.s32 $0x380;
	[sflag:s28] =	ssyncadd.s32 $0xFFFFC000  }
0x3c: {  	[tilespmem:s16], [sflag:$0x3] =	stream.indirect.gather [hbm4b:s1+s12], $0x80, s20, s12, $0xb8;
	[tilespmem:$0x1A400] =	vst v63  }
0x3d: {  	_ =	swait.ge [sflag:s29], $0x4000  }
0x3e: {  	[sflag:s29] =	ssyncset.done $0x0  }
0x3f: {  	s17 =	sadd.s32 $0x2000, s15;
	[sflag:s29] =	ssyncadd.s32 $0xFFFFC000  }
0x40: {  	[hbm4b:s17+s3] =	stream.linear.scatter [tilespmem:s21], [sflag:$0xA], $0x4000, $0x38;
	[tilespmem:$0x1A400] =	vst v63  }
0x41: {  	_ =	swait.ge [sflag:s30], $0x4000  }
0x42: {  	[sflag:s30] =	ssyncset.done $0x0  }
0x43: {  	s20 =	simm.s32 $0x400;
	[sflag:s30] =	ssyncadd.s32 $0xFFFFC000  }
0x44: {  	[tilespmem:s18], [sflag:$0x4] =	stream.indirect.gather [hbm4b:s1+s12], $0x80, s20, s12, $0xb8;
	[tilespmem:$0x1A400] =	vst v63  }
0x45: {  	_ =	swait.ge [sflag:s19], $0x4000  }
0x46: {  	[sflag:s19] =	ssyncset.done $0x0  }
0x47: {  	s17 =	sadd.s32 $0x2800, s15;
	[sflag:s19] =	ssyncadd.s32 $0xFFFFC000  }
0x48: {  	[hbm4b:s17+s3] =	stream.linear.scatter [tilespmem:s13], [sflag:$0x6], $0x4000, $0x38;
	[tilespmem:$0x1A400] =	vst v63  }
0x49: {  	_ =	swait.ge [sflag:s31], $0x4000  }
0x4a: {  	[sflag:s31] =	ssyncset.done $0x0  }
0x4b: {  	s20 =	simm.s32 $0x480;
	[sflag:s31] =	ssyncadd.s32 $0xFFFFC000  }
0x4c: {  	[tilespmem:s21], [sflag:$0x5] =	stream.indirect.gather [hbm4b:s1+s12], $0x80, s20, s12, $0xb8;
	[tilespmem:$0x1A400] =	vst v63  }
0x4d: {  	_ =	swait.ge [sflag:s22], $0x4000  }
0x4e: {  	s0 =	simm.s32 $0x2800;
	[sflag:s22] =	ssyncset.done $0x0  }
0x4f: {  	s17 =	sadd.s32 $0x3000, s15;
	s15 =	simm.s32 $0x700;
	[sflag:s22] =	ssyncadd.s32 $0xFFFFC000  }
.LBB2_2:
0x50: {  	[hbm4b:s17+s3] =	stream.linear.scatter [tilespmem:s14], [sflag:$0x7], $0x4000, $0x38;
	[tilespmem:$0x1A400] =	vst v63  }
0x51: {  	_ =	swait.ge [sflag:s23], $0x4000  }
0x52: {  	[sflag:s23] =	ssyncset.done $0x0  }
0x53: {  	s20 =	sadd.s32 $0xFFFFFE00, s15;
	[sflag:s23] =	ssyncadd.s32 $0xFFFFC000  }
0x54: {  	[tilespmem:s13], [sflag:$0x1] =	stream.indirect.gather [hbm4b:s1+s12], $0x80, s20, s12, $0xb8;
	[tilespmem:$0x1A400] =	vst v63  }
0x55: {  	_ =	swait.ge [sflag:s24], $0x4000  }
0x56: {  	s17 =	smov.u32 s0;
	s20 =	rddreg [dreg:$0x4]  }
0x57: {  	[sflag:s24] =	ssyncset.done $0x0;
	s17 =	sadd.s32 s17, s20  }
0x58: {  	[sflag:s24] =	ssyncadd.s32 $0xFFFFC000;
	s20 =	sadd.s32 $0x1000, s17  }
0x59: {  	[hbm4b:s20+s3] =	stream.linear.scatter [tilespmem:s16], [sflag:$0x8], $0x4000, $0x38;
	[tilespmem:$0x1A400] =	vst v63  }
0x5a: {  	_ =	swait.ge [sflag:s25], $0x4000  }
0x5b: {  	[sflag:s25] =	ssyncset.done $0x0  }
0x5c: {  	s20 =	sadd.s32 $0xFFFFFE80, s15;
	[sflag:s25] =	ssyncadd.s32 $0xFFFFC000  }
0x5d: {  	[tilespmem:s14], [sflag:$0x2] =	stream.indirect.gather [hbm4b:s1+s12], $0x80, s20, s12, $0xb8;
	[tilespmem:$0x1A400] =	vst v63  }
0x5e: {  	_ =	swait.ge [sflag:s26], $0x4000  }
0x5f: {  	[sflag:s26] =	ssyncset.done $0x0  }
0x60: {  	s20 =	sadd.s32 $0x1800, s17;
	[sflag:s26] =	ssyncadd.s32 $0xFFFFC000  }
0x61: {  	[hbm4b:s20+s3] =	stream.linear.scatter [tilespmem:s18], [sflag:$0x9], $0x4000, $0x38;
	[tilespmem:$0x1A400] =	vst v63  }
0x62: {  	_ =	swait.ge [sflag:s28], $0x4000  }
0x63: {  	[sflag:s28] =	ssyncset.done $0x0  }
0x64: {  	s20 =	sadd.s32 $0xFFFFFF00, s15;
	[sflag:s28] =	ssyncadd.s32 $0xFFFFC000  }
0x65: {  	[tilespmem:s16], [sflag:$0x3] =	stream.indirect.gather [hbm4b:s1+s12], $0x80, s20, s12, $0xb8;
	[tilespmem:$0x1A400] =	vst v63  }
0x66: {  	_ =	swait.ge [sflag:s29], $0x4000  }
0x67: {  	[sflag:s29] =	ssyncset.done $0x0  }
0x68: {  	s20 =	sadd.s32 $0x2000, s17;
	[sflag:s29] =	ssyncadd.s32 $0xFFFFC000  }
0x69: {  	[hbm4b:s20+s3] =	stream.linear.scatter [tilespmem:s21], [sflag:$0xA], $0x4000, $0x38;
	[tilespmem:$0x1A400] =	vst v63  }
0x6a: {  	_ =	swait.ge [sflag:s30], $0x4000  }
0x6b: {  	[sflag:s30] =	ssyncset.done $0x0  }
0x6c: {  	s20 =	sadd.s32 $0xFFFFFF80, s15;
	[sflag:s30] =	ssyncadd.s32 $0xFFFFC000  }
0x6d: {  	[tilespmem:s18], [sflag:$0x4] =	stream.indirect.gather [hbm4b:s1+s12], $0x80, s20, s12, $0xb8;
	[tilespmem:$0x1A400] =	vst v63  }
0x6e: {  	_ =	swait.ge [sflag:s19], $0x4000  }
0x6f: {  	[sflag:s19] =	ssyncset.done $0x0  }
0x70: {  	s20 =	sadd.s32 $0x2800, s17;
	[sflag:s19] =	ssyncadd.s32 $0xFFFFC000  }
0x71: {  	[hbm4b:s20+s3] =	stream.linear.scatter [tilespmem:s13], [sflag:$0x6], $0x4000, $0x38;
	[tilespmem:$0x1A400] =	vst v63  }
0x72: {  	_ =	swait.ge [sflag:s31], $0x4000  }
0x73: {  	p0 =	sne.s32 s0, $0x5F000;
	[sflag:s31] =	ssyncset.done $0x0  }
.Ltmp0:
0x74: {  	[sflag:s31] =	ssyncadd.s32 $0xFFFFC000;
	(pc) =	sbr.rel @p0 .LBB2_2-.Ltmp0, $4  }
0x75: {  	[tilespmem:s21], [sflag:$0x5] =	stream.indirect.gather [hbm4b:s1+s12], $0x80, s15, s12, $0xb8;
	[tilespmem:$0x1A400] =	vst v63  }
0x76: {  	_ =	swait.ge [sflag:s22], $0x4000  }
0x77: {  	s0 =	sadd.s32 $0x2800, s0;
	[sflag:s22] =	ssyncset.done $0x0  }
0x78: {  	s17 =	sadd.s32 $0x3000, s17;
	s15 =	sadd.s32 $0x280, s15;
	[sflag:s22] =	ssyncadd.s32 $0xFFFFC000  }
0x79: {  	[hbm4b:s17+s3] =	stream.linear.scatter [tilespmem:s14], [sflag:$0x7], $0x4000, $0x38;
	[tilespmem:$0x1A400] =	vst v63  }
0x7a: {  	_ =	swait.ge [sflag:s24], $0x4000  }
0x7b: {  	[sflag:s24] =	ssyncset.done $0x0  }
0x7c: {  	[sflag:s24] =	ssyncadd.s32 $0xFFFFC000  }
0x7d: {  	[hbm4b:s7+s3] =	stream.linear.scatter [tilespmem:s16], [sflag:$0x8], $0x4000, $0x38;
	[tilespmem:$0x1A400] =	vst v63  }
0x7e: {  	_ =	swait.ge [sflag:s26], $0x4000  }
0x7f: {  	[sflag:s26] =	ssyncset.done $0x0  }
0x80: {  	[sflag:s26] =	ssyncadd.s32 $0xFFFFC000  }
0x81: {  	[hbm4b:s8+s3] =	stream.linear.scatter [tilespmem:s18], [sflag:$0x9], $0x4000, $0x38;
	[tilespmem:$0x1A400] =	vst v63  }
0x82: {  	_ =	swait.ge [sflag:s29], $0x4000  }
0x83: {  	[sflag:s29] =	ssyncset.done $0x0  }
0x84: {  	[sflag:s29] =	ssyncadd.s32 $0xFFFFC000  }
0x85: {  	[hbm4b:s9+s3] =	stream.linear.scatter [tilespmem:s21], [sflag:$0xA], $0x4000, $0x38;
	[tilespmem:$0x1A400] =	vst v63  }
0x86: {  	_ =	swait.ge [sflag:s23], $0x4000  }
0x87: {  	[sflag:s23] =	ssyncset.done $0x0  }
0x88: {  	[sflag:s23] =	ssyncadd.s32 $0xFFFFC000  }
0x89: {  	_ =	swait.ge [sflag:s25], $0x4000  }
0x8a: {  	[sflag:s25] =	ssyncset.done $0x0  }
0x8b: {  	[sflag:s25] =	ssyncadd.s32 $0xFFFFC000  }
0x8c: {  	_ =	swait.ge [sflag:s28], $0x4000  }
0x8d: {  	[sflag:s28] =	ssyncset.done $0x0  }
0x8e: {  	s2 =	sadd.s32 $0x1, s2;
	[sflag:s28] =	ssyncadd.s32 $0xFFFFC000  }
0x8f: {  	p0 =	sne.s32 s2, s10;
	_ =	swait.ge [sflag:s30], $0x4000  }
.Ltmp1:
0x90: {  	[sflag:s30] =	ssyncset.done $0x0;
	(pc) =	sbr.rel @p0 .LBB2_1-.Ltmp1, $4  }
0x91: {  	[sflag:s30] =	ssyncadd.s32 $0xFFFFC000  }
0x92: {  	_ =	swait.ge [sflag:s31], $0x4000  }
0x93: {  	[sflag:s31] =	ssyncset.done $0x0  }
0x94: {  	[sflag:s31] =	ssyncadd.s32 $0xFFFFC000  }
0x95: {  	_ =	sfence.sel $0x180000  }
0x96: {  	[bflag:$0x0] =	sbarrier.arrive $0xFFFF  }
0x97: {  	_ =	strace $0x90000047  }
0x98: {  	s0 =	stileid.u32;
	[bflag:$0x2] =	sbarrier.arrive $0xFFFF  }
0x99: {  	p0 =	sne.s32 s0, $0x0;
	s0 =	rddreg [dreg:$0x3]  }
0x9a: {  	s0 =	sadd.s32 @!p0 $0x100000, s0  }
0x9b: {  	[sflag:s0] =	ssyncadd.tile.s32 @!p0 $0x1;
	_ =	shalt  }
.Lfunc_end2:
_tile_overlayer_lowered:
.L_overlay_start_2:
0x9c: {  	(tag) =	ssettag $0x2  }
0x9d: {  	s0 =	rddreg [dreg:$0x0];
	s2 =	stileid.u32  }
0x9e: {  	s1 =	rddreg [dreg:$0x1];
	p0 =	sne.s32 s2, $0x0  }
0x9f: {  	s3 =	rddreg [dreg:$0x2];
	[bflag:$0x3] =	sbarrier.arrive $0xFFFF;
	s2 =	simm.s32 @!p0 $0x1C0B  }
0xa0: {  	[timem:s3], [sflag:s2] =	dma.local @!p0 [hbm:s0], s1  }
0xa1: {  	s0 =	simm.s32 @!p0 $0xB  }
0xa2: {  	_ =	swait.ge @!p0 [sflag:s0], s1  }
0xa3: {  	s1 =	ssub.s32 @!p0 $0x0, s1;
	[sflag:s0] =	ssyncset.done @!p0 $0x0  }
0xa4: {  	[sflag:s0] =	ssyncadd.s32 @!p0 s1  }
0xa5: {  	[bflag:$0x3] =	sbarrier.arrive $0xFFFF  }
0xa6: {  	_ =	shalt  }

</sc_bundles>
